<compile_context>
chip_gen: v7x
topology: tpu7x:2x2x1
jax: 0.10.2.dev20260603
libtpu: 0.0.44.dev20260713+nightly
codegen_flags: <defaults>
</compile_context>

<pallas_src>
import jax
import jax.numpy as jnp
from jax import lax
from jax.experimental import pallas as pl
from jax.experimental.pallas import tpu as pltpu
from jax.experimental.pallas import tpu_sc as plsc

N_NODES = 10000
N_EDGES = 320000
HID = 128
NUM_REL = 500
RPAD = 512

NC, NS = 2, 16
NW = NC * NS
E_PER = N_EDGES // NW
CH = 128
NROW = 80
NVEC = E_PER // 16
MB = 2000
NPAD = 10240
PLANE = NPAD * HID


def _bf16_split(a):
    hi = a.astype(jnp.bfloat16)
    lo = (a - hi.astype(jnp.float32)).astype(jnp.bfloat16)
    return hi, lo


def _mm_body(x_ref, relp_ref, w_ref, o_ref):
    e_x = lax.dot_general(
        x_ref[...], w_ref[...], (((1,), (1,)), ((), ())),
        preferred_element_type=jnp.float32)
    dims = (((1,), (1,)), ((), ()))
    exh, exl = _bf16_split(e_x)
    relp = relp_ref[...]
    for j in range(4):
        rj = relp[j * HID:(j + 1) * HID, :]
        rh, rl = _bf16_split(rj)
        acc = lax.dot_general(exh, rh, dims, preferred_element_type=jnp.float32)
        acc += lax.dot_general(exh, rl, dims, preferred_element_type=jnp.float32)
        acc += lax.dot_general(exl, rh, dims, preferred_element_type=jnp.float32)
        o_ref[j] = acc


def _matmul(x, rel, w):
    return pl.pallas_call(
        _mm_body,
        grid=(N_NODES // MB,),
        in_specs=[
            pl.BlockSpec((MB, HID), lambda i: (i, 0)),
            pl.BlockSpec((RPAD, HID), lambda i: (0, 0)),
            pl.BlockSpec((HID, HID), lambda i: (0, 0)),
        ],
        out_specs=pl.BlockSpec((4, MB, HID), lambda i: (0, i, 0)),
        out_shape=jax.ShapeDtypeStruct((4, NPAD, HID), jnp.float32),
    )(x, rel, w)


def _sc_body(mflat, eidx_hbm, type_hbm, hist_hbm, maxes_hbm,
             eidx_v, type_v, idx_v, dp_v, bins, row_v, max_v, sem):
    wid = lax.axis_index("s") * NC + lax.axis_index("c")
    base = wid * E_PER
    tile0 = jnp.minimum(base >> 7, jnp.int32(N_EDGES // CH - NROW))
    off0 = base - (tile0 << 7)
    cp1 = pltpu.async_copy(
        eidx_hbm.at[:, pl.ds(pl.multiple_of(tile0 * CH, CH), NROW * CH)],
        eidx_v, sem)
    cp2 = pltpu.async_copy(type_hbm.at[pl.ds(base, E_PER)], type_v, sem)

    zeros16 = jnp.zeros((16,), jnp.float32)
    NFULL = NVEC // 8

    def zero_row(k, _):
        for c in range(RPAD // 16):
            bins[k, pl.ds(c * 16, 16)] = zeros16
        return 0
    lax.fori_loop(0, 16, zero_row, 0)

    cp1.wait()
    cp2.wait()

    lane0 = lax.iota(jnp.int32, 16)

    def _flat_idx(h, t):
        return (t >> 7) * PLANE + (h << 7) + (t & 127)

    def row_body(j, _):
        for k in range(8):
            h = eidx_v[0, pl.ds(off0 + j * CH + k * 16, 16)]
            t = type_v[pl.ds(j * CH + k * 16, 16)]
            idx_v[j, pl.ds(k * 16, 16)] = _flat_idx(h, t)
        pltpu.async_copy(mflat.at[idx_v.at[j]], dp_v.at[j], sem)
        return 0
    lax.fori_loop(0, NFULL, row_body, 0)

    h = eidx_v[0, pl.ds(off0 + NFULL * CH, 16)]
    t = type_v[pl.ds(NFULL * CH, 16)]
    idx_v[NFULL, pl.ds(0, 16)] = _flat_idx(h, t)
    pbase = wid * 256
    for k in range(1, 8):
        idx_v[NFULL, pl.ds(k * 16, 16)] = (pbase + (k * 16) + lane0) << 6
        idx_v[NFULL + 1, pl.ds(k * 16, 16)] = (pbase + (128 + k * 16) + lane0) << 6
    idx_v[NFULL + 1, pl.ds(0, 16)] = (pbase + 128 + lane0) << 6
    pltpu.async_copy(mflat.at[idx_v.at[NFULL]], dp_v.at[NFULL], sem)
    pltpu.async_copy(mflat.at[idx_v.at[NFULL + 1]], dp_v.at[NFULL + 1], sem)

    def drain(j, _):
        pltpu.make_async_copy(mflat.at[idx_v.at[j]], dp_v.at[j], sem).wait()
        return 0
    lax.fori_loop(0, NROW, drain, 0)

    def max_row(j, acc):
        for k in range(8):
            acc = jnp.maximum(acc, dp_v[j, pl.ds(k * 16, 16)])
        return acc
    mvec = lax.fori_loop(0, NFULL, max_row,
                         jnp.full((16,), -jnp.inf, jnp.float32))
    mvec = jnp.maximum(mvec, dp_v[NFULL, pl.ds(0, 16)])

    lane = lax.iota(jnp.int32, 16)

    for sh in (8, 4, 2, 1):
        max_v[...] = mvec
        mvec = jnp.maximum(mvec, plsc.load_gather(max_v, [lane ^ sh]))
    mv = mvec

    def exp_row(j, _):
        for k in range(8):
            v = dp_v[j, pl.ds(k * 16, 16)]
            t = type_v[pl.ds(j * CH + k * 16, 16)]
            plsc.addupdate_scatter(bins, [lane, t], jnp.exp(v - mv))
        return 0
    lax.fori_loop(0, NFULL, exp_row, 0)
    v = dp_v[NFULL, pl.ds(0, 16)]
    t = type_v[pl.ds(NFULL * CH, 16)]
    plsc.addupdate_scatter(bins, [lane, t], jnp.exp(v - mv))

    def merge_body(c, _):
        acc = bins[0, pl.ds(c * 16, 16)]
        for k in range(1, 16):
            acc = acc + bins[k, pl.ds(c * 16, 16)]
        row_v[pl.ds(c * 16, 16)] = acc
        return 0
    lax.fori_loop(0, RPAD // 16, merge_body, 0)

    max_v[...] = mv
    pltpu.sync_copy(row_v, hist_hbm.at[wid])
    pltpu.sync_copy(max_v, maxes_hbm.at[wid])


_sc_edge = pl.kernel(
    _sc_body,
    out_type=(jax.ShapeDtypeStruct((NW, RPAD), jnp.float32),
              jax.ShapeDtypeStruct((NW, 16), jnp.float32)),
    mesh=plsc.VectorSubcoreMesh(core_axis_name="c", subcore_axis_name="s"),
    compiler_params=pltpu.CompilerParams(needs_layout_passes=False),
    scratch_types=[
        pltpu.VMEM((2, NROW * CH), jnp.int32),
        pltpu.VMEM((E_PER,), jnp.int32),
        pltpu.VMEM((NROW, CH), jnp.int32),
        pltpu.VMEM((NROW, CH), jnp.float32),
        pltpu.VMEM((16, RPAD), jnp.float32),
        pltpu.VMEM((RPAD,), jnp.float32),
        pltpu.VMEM((16,), jnp.float32),
        pltpu.SemaphoreType.DMA,
    ],
)


def _fin_body(hist_ref, maxes_ref, rel_ref, o_ref):
    m = jnp.max(maxes_ref[...])
    e = jnp.exp(maxes_ref[:, 0:1] - m)
    t = jnp.sum(hist_ref[...] * e, axis=0)
    z = jnp.sum(t)
    s = t[0:NUM_REL] / z
    o_ref[...] = jnp.maximum(rel_ref[...] * s[:, None], 0.0)


def _finalize(hist, maxes, rel_emb):
    return pl.pallas_call(
        _fin_body,
        out_shape=jax.ShapeDtypeStruct((NUM_REL, HID), jnp.float32),
    )(hist, maxes, rel_emb)


def kernel(x, edge_index, edge_type, rel_emb, W_e2r):
    m = _matmul(x, rel_emb, W_e2r)
    hist, maxes = _sc_edge(m.reshape(-1), edge_index, edge_type)
    return _finalize(hist, maxes, rel_emb)

# --- scband reference (transcript-rebuilt; emitter-appended) ---
"""Pipeline reference for scband-ralayer-25357486915850 (READ-ONLY COPY).

The authoritative reference and input builder live on the scoring server;
editing this copy changes nothing except your own understanding.
"""

import jax, jax.numpy as jnp
import numpy as np

N_NODES = 10000
N_EDGES = 320000
E_HIDDEN = 128
R_HIDDEN = 128
NUM_REL = 500

def setup_inputs(seed: int = 0) -> dict:
    key = jax.random.key(seed)
    k1, k2, k3, k4, k5 = jax.random.split(key, 5)
    x = jax.random.normal(k1, (N_NODES, E_HIDDEN), dtype=jnp.float32)
    edge_index = jax.random.randint(k2, (2, N_EDGES), 0, N_NODES, dtype=jnp.int32)
    edge_type = jax.random.randint(k3, (N_EDGES,), 0, NUM_REL, dtype=jnp.int32)
    rel_emb = jax.random.normal(k4, (NUM_REL, R_HIDDEN), dtype=jnp.float32)
    # e2r: nn.Linear(e_hidden, r_hidden, bias=False) -> weight shape [r_hidden, e_hidden]
    W_e2r = jax.random.normal(k5, (R_HIDDEN, E_HIDDEN), dtype=jnp.float32) * (1.0 / np.sqrt(E_HIDDEN))
    return {"x": x, "edge_index": edge_index, "edge_type": edge_type, "rel_emb": rel_emb, "W_e2r": W_e2r}

def reference(x, edge_index, edge_type, rel_emb, W_e2r):
    edge_index_i = edge_index[0]
    # e2r linear projection
    e_x = x @ W_e2r.T
    # gather head-node projections per edge
    e_head = jnp.take(e_x, edge_index_i, axis=0)
    # gather relation embeddings per edge
    e_rel = jnp.take(rel_emb, edge_type, axis=0)
    # dot-product attention logits per edge
    dp_att = jnp.sum(e_head * e_rel, axis=-1)
    # softmax over the flat edge dimension (dim=-1 of a 1-D tensor = global softmax)
    attention_weights = jax.nn.softmax(dp_att, axis=-1)
    weighted_e_rel = e_rel * attention_weights[:, None]
    # global_add_pool with edge_type as segment ids -> per-relation sum
    x_r = jax.ops.segment_sum(weighted_e_rel, edge_type, num_segments=NUM_REL)
    return jax.nn.relu(x_r)

if __name__ == "__main__":
    import jax
    _d = setup_inputs()
    print(jax.jit(kernel)(*tuple(_d.values())))

</pallas_src>

<mosaic_0001>
#map = affine_map<(d0, d1) -> (0)>
#map1 = affine_map<(d0, d1) -> (0, 0)>
module attributes {stable_mosaic.version = 14 : i64} {
  func.func @_sc_body(%arg0: i32, %arg1: i32, %arg2: memref<5242880xf32, #tpu.memory_space<hbm>>, %arg3: memref<2x320000xi32, #tpu.memory_space<hbm>>, %arg4: memref<320000xi32, #tpu.memory_space<hbm>>, %arg5: memref<32x512xf32, #tpu.memory_space<hbm>>, %arg6: memref<32x16xf32, #tpu.memory_space<hbm>>, %arg7: memref<2x10240xi32, #tpu.memory_space<vmem>>, %arg8: memref<10000xi32, #tpu.memory_space<vmem>>, %arg9: memref<80x128xi32, #tpu.memory_space<vmem>>, %arg10: memref<80x128xf32, #tpu.memory_space<vmem>>, %arg11: memref<16x512xf32, #tpu.memory_space<vmem>>, %arg12: memref<512xf32, #tpu.memory_space<vmem>>, %arg13: memref<16xf32, #tpu.memory_space<vmem>>, %arg14: memref<!tpu.dma_semaphore, #tpu.memory_space<semaphore_mem>>) attributes {dimension_semantics = [#tpu.dimension_semantics<core_parallel>, #tpu.dimension_semantics<subcore_parallel>], iteration_bounds = array<i64: 2, 16>, scalar_prefetch = 0 : i64, scratch_operands = 8 : i64, tpu.core_type = #tpu.core_type<sc_vector_subcore>, window_params = [{transform_indices = #map}, {transform_indices = #map1}, {transform_indices = #map}, {transform_indices = #map1}, {transform_indices = #map1}]} {
    %mul3A = arith.constant 2 : i32
    %mul3A_0 = arith.muli %arg1, %mul3A : i32
    %add3A = arith.addi %mul3A_0, %arg0 : i32
    %mul3A_1 = arith.constant 10000 : i32
    %mul3A_2 = arith.muli %add3A, %mul3A_1 : i32
    %shift_right_arithmetic3A = arith.constant 7 : i32
    %shift_right_arithmetic3A_3 = arith.shrsi %mul3A_2, %shift_right_arithmetic3A : i32
    %min3A = arith.constant 2420 : i32
    %min3A_4 = arith.minsi %shift_right_arithmetic3A_3, %min3A : i32
    %shift_left3A = arith.constant 7 : i32
    %shift_left3A_5 = arith.shli %min3A_4, %shift_left3A : i32
    %sub3A = arith.subi %mul3A_2, %shift_left3A_5 : i32
    %mul3A_6 = arith.constant 128 : i32
    %mul3A_7 = arith.muli %min3A_4, %mul3A_6 : i32
    %multiple_of3A = tpu.assume_multiple %mul3A_7, 128 : i32
    %dma_start3A = arith.constant 0 : i32
    %dma_start3A_8 = tpu.memref_slice %arg3[%dma_start3A, %multiple_of3A] : memref<2x320000xi32, #tpu.memory_space<hbm>> -> memref<2x10240xi32, #tpu.memory_space<hbm>>
    %dma_start3A_9 = arith.constant 0 : i32
    %dma_start3A_10 = tpu.memref_slice %arg3[%dma_start3A_9, %multiple_of3A] : memref<2x320000xi32, #tpu.memory_space<hbm>> -> memref<2x10240xi32, #tpu.memory_space<hbm>>
    tpu.enqueue_dma source(%dma_start3A_10 : memref<2x10240xi32, #tpu.memory_space<hbm>>) target(%arg7 : memref<2x10240xi32, #tpu.memory_space<vmem>>) target_semaphore(%arg14 : memref<!tpu.dma_semaphore, #tpu.memory_space<semaphore_mem>>)
    %dma_start3A_11 = tpu.memref_slice %arg4[%mul3A_2] : memref<320000xi32, #tpu.memory_space<hbm>> -> memref<10000xi32, #tpu.memory_space<hbm>>
    %dma_start3A_12 = tpu.memref_slice %arg4[%mul3A_2] : memref<320000xi32, #tpu.memory_space<hbm>> -> memref<10000xi32, #tpu.memory_space<hbm>>
    tpu.enqueue_dma source(%dma_start3A_12 : memref<10000xi32, #tpu.memory_space<hbm>>) target(%arg8 : memref<10000xi32, #tpu.memory_space<vmem>>) target_semaphore(%arg14 : memref<!tpu.dma_semaphore, #tpu.memory_space<semaphore_mem>>)
    %broadcast_in_dim3A = arith.constant 0.000000e+00 : f32
    %broadcast_in_dim3A_13 = vector.broadcast %broadcast_in_dim3A : f32 to vector<16xf32>
    %scan3A = arith.constant 0 : i32
    %scan3A_14 = arith.constant 0 : i32
    %scan3A_15 = arith.constant 16 : i32
    %scan3A_16 = arith.addi %scan3A_14, %scan3A_15 : i32
    %scan3A_17 = arith.constant 1 : i32
    %scan3A_18 = scf.for %scan3A_311 = %scan3A_14 to %scan3A_16 step %scan3A_17 iter_args(%scan3A_312 = %scan3A) -> (i32)  : i32 {
      %swap3A_313 = arith.index_cast %scan3A_311 : i32 to index
      %swap3A_314 = arith.constant 0 : index
      %swap3A_315 = tpu.vector_load %arg11[%swap3A_313, %swap3A_314] {strides = array<i32>} : memref<16x512xf32, #tpu.memory_space<vmem>>, vector<16xf32>,
      tpu.vector_store %arg11[%swap3A_313, %swap3A_314], %broadcast_in_dim3A_13 {strides = array<i32>} : memref<16x512xf32, #tpu.memory_space<vmem>>, vector<16xf32>,
      %swap3A_316 = arith.index_cast %scan3A_311 : i32 to index
      %swap3A_317 = arith.constant 16 : index
      %swap3A_318 = tpu.vector_load %arg11[%swap3A_316, %swap3A_317] {strides = array<i32>} : memref<16x512xf32, #tpu.memory_space<vmem>>, vector<16xf32>,
      tpu.vector_store %arg11[%swap3A_316, %swap3A_317], %broadcast_in_dim3A_13 {strides = array<i32>} : memref<16x512xf32, #tpu.memory_space<vmem>>, vector<16xf32>,
      %swap3A_319 = arith.index_cast %scan3A_311 : i32 to index
      %swap3A_320 = arith.constant 32 : index
      %swap3A_321 = tpu.vector_load %arg11[%swap3A_319, %swap3A_320] {strides = array<i32>} : memref<16x512xf32, #tpu.memory_space<vmem>>, vector<16xf32>,
      tpu.vector_store %arg11[%swap3A_319, %swap3A_320], %broadcast_in_dim3A_13 {strides = array<i32>} : memref<16x512xf32, #tpu.memory_space<vmem>>, vector<16xf32>,
      %swap3A_322 = arith.index_cast %scan3A_311 : i32 to index
      %swap3A_323 = arith.constant 48 : index
      %swap3A_324 = tpu.vector_load %arg11[%swap3A_322, %swap3A_323] {strides = array<i32>} : memref<16x512xf32, #tpu.memory_space<vmem>>, vector<16xf32>,
      tpu.vector_store %arg11[%swap3A_322, %swap3A_323], %broadcast_in_dim3A_13 {strides = array<i32>} : memref<16x512xf32, #tpu.memory_space<vmem>>, vector<16xf32>,
      %swap3A_325 = arith.index_cast %scan3A_311 : i32 to index
      %swap3A_326 = arith.constant 64 : index
      %swap3A_327 = tpu.vector_load %arg11[%swap3A_325, %swap3A_326] {strides = array<i32>} : memref<16x512xf32, #tpu.memory_space<vmem>>, vector<16xf32>,
      tpu.vector_store %arg11[%swap3A_325, %swap3A_326], %broadcast_in_dim3A_13 {strides = array<i32>} : memref<16x512xf32, #tpu.memory_space<vmem>>, vector<16xf32>,
      %swap3A_328 = arith.index_cast %scan3A_311 : i32 to index
      %swap3A_329 = arith.constant 80 : index
      %swap3A_330 = tpu.vector_load %arg11[%swap3A_328, %swap3A_329] {strides = array<i32>} : memref<16x512xf32, #tpu.memory_space<vmem>>, vector<16xf32>,
      tpu.vector_store %arg11[%swap3A_328, %swap3A_329], %broadcast_in_dim3A_13 {strides = array<i32>} : memref<16x512xf32, #tpu.memory_space<vmem>>, vector<16xf32>,
      %swap3A_331 = arith.index_cast %scan3A_311 : i32 to index
      %swap3A_332 = arith.constant 96 : index
      %swap3A_333 = tpu.vector_load %arg11[%swap3A_331, %swap3A_332] {strides = array<i32>} : memref<16x512xf32, #tpu.memory_space<vmem>>, vector<16xf32>,
      tpu.vector_store %arg11[%swap3A_331, %swap3A_332], %broadcast_in_dim3A_13 {strides = array<i32>} : memref<16x512xf32, #tpu.memory_space<vmem>>, vector<16xf32>,
      %swap3A_334 = arith.index_cast %scan3A_311 : i32 to index
      %swap3A_335 = arith.constant 112 : index
      %swap3A_336 = tpu.vector_load %arg11[%swap3A_334, %swap3A_335] {strides = array<i32>} : memref<16x512xf32, #tpu.memory_space<vmem>>, vector<16xf32>,
      tpu.vector_store %arg11[%swap3A_334, %swap3A_335], %broadcast_in_dim3A_13 {strides = array<i32>} : memref<16x512xf32, #tpu.memory_space<vmem>>, vector<16xf32>,
      %swap3A_337 = arith.index_cast %scan3A_311 : i32 to index
      %swap3A_338 = arith.constant 128 : index
      %swap3A_339 = tpu.vector_load %arg11[%swap3A_337, %swap3A_338] {strides = array<i32>} : memref<16x512xf32, #tpu.memory_space<vmem>>, vector<16xf32>,
      tpu.vector_store %arg11[%swap3A_337, %swap3A_338], %broadcast_in_dim3A_13 {strides = array<i32>} : memref<16x512xf32, #tpu.memory_space<vmem>>, vector<16xf32>,
      %swap3A_340 = arith.index_cast %scan3A_311 : i32 to index
      %swap3A_341 = arith.constant 144 : index
      %swap3A_342 = tpu.vector_load %arg11[%swap3A_340, %swap3A_341] {strides = array<i32>} : memref<16x512xf32, #tpu.memory_space<vmem>>, vector<16xf32>,
      tpu.vector_store %arg11[%swap3A_340, %swap3A_341], %broadcast_in_dim3A_13 {strides = array<i32>} : memref<16x512xf32, #tpu.memory_space<vmem>>, vector<16xf32>,
      %swap3A_343 = arith.index_cast %scan3A_311 : i32 to index
      %swap3A_344 = arith.constant 160 : index
      %swap3A_345 = tpu.vector_load %arg11[%swap3A_343, %swap3A_344] {strides = array<i32>} : memref<16x512xf32, #tpu.memory_space<vmem>>, vector<16xf32>,
      tpu.vector_store %arg11[%swap3A_343, %swap3A_344], %broadcast_in_dim3A_13 {strides = array<i32>} : memref<16x512xf32, #tpu.memory_space<vmem>>, vector<16xf32>,
      %swap3A_346 = arith.index_cast %scan3A_311 : i32 to index
      %swap3A_347 = arith.constant 176 : index
      %swap3A_348 = tpu.vector_load %arg11[%swap3A_346, %swap3A_347] {strides = array<i32>} : memref<16x512xf32, #tpu.memory_space<vmem>>, vector<16xf32>,
      tpu.vector_store %arg11[%swap3A_346, %swap3A_347], %broadcast_in_dim3A_13 {strides = array<i32>} : memref<16x512xf32, #tpu.memory_space<vmem>>, vector<16xf32>,
      %swap3A_349 = arith.index_cast %scan3A_311 : i32 to index
      %swap3A_350 = arith.constant 192 : index
      %swap3A_351 = tpu.vector_load %arg11[%swap3A_349, %swap3A_350] {strides = array<i32>} : memref<16x512xf32, #tpu.memory_space<vmem>>, vector<16xf32>,
      tpu.vector_store %arg11[%swap3A_349, %swap3A_350], %broadcast_in_dim3A_13 {strides = array<i32>} : memref<16x512xf32, #tpu.memory_space<vmem>>, vector<16xf32>,
      %swap3A_352 = arith.index_cast %scan3A_311 : i32 to index
      %swap3A_353 = arith.constant 208 : index
      %swap3A_354 = tpu.vector_load %arg11[%swap3A_352, %swap3A_353] {strides = array<i32>} : memref<16x512xf32, #tpu.memory_space<vmem>>, vector<16xf32>,
      tpu.vector_store %arg11[%swap3A_352, %swap3A_353], %broadcast_in_dim3A_13 {strides = array<i32>} : memref<16x512xf32, #tpu.memory_space<vmem>>, vector<16xf32>,
      %swap3A_355 = arith.index_cast %scan3A_311 : i32 to index
      %swap3A_356 = arith.constant 224 : index
      %swap3A_357 = tpu.vector_load %arg11[%swap3A_355, %swap3A_356] {strides = array<i32>} : memref<16x512xf32, #tpu.memory_space<vmem>>, vector<16xf32>,
      tpu.vector_store %arg11[%swap3A_355, %swap3A_356], %broadcast_in_dim3A_13 {strides = array<i32>} : memref<16x512xf32, #tpu.memory_space<vmem>>, vector<16xf32>,
      %swap3A_358 = arith.index_cast %scan3A_311 : i32 to index
      %swap3A_359 = arith.constant 240 : index
      %swap3A_360 = tpu.vector_load %arg11[%swap3A_358, %swap3A_359] {strides = array<i32>} : memref<16x512xf32, #tpu.memory_space<vmem>>, vector<16xf32>,
      tpu.vector_store %arg11[%swap3A_358, %swap3A_359], %broadcast_in_dim3A_13 {strides = array<i32>} : memref<16x512xf32, #tpu.memory_space<vmem>>, vector<16xf32>,
      %swap3A_361 = arith.index_cast %scan3A_311 : i32 to index
      %swap3A_362 = arith.constant 256 : index
      %swap3A_363 = tpu.vector_load %arg11[%swap3A_361, %swap3A_362] {strides = array<i32>} : memref<16x512xf32, #tpu.memory_space<vmem>>, vector<16xf32>,
      tpu.vector_store %arg11[%swap3A_361, %swap3A_362], %broadcast_in_dim3A_13 {strides = array<i32>} : memref<16x512xf32, #tpu.memory_space<vmem>>, vector<16xf32>,
      %swap3A_364 = arith.index_cast %scan3A_311 : i32 to index
      %swap3A_365 = arith.constant 272 : index
      %swap3A_366 = tpu.vector_load %arg11[%swap3A_364, %swap3A_365] {strides = array<i32>} : memref<16x512xf32, #tpu.memory_space<vmem>>, vector<16xf32>,
      tpu.vector_store %arg11[%swap3A_364, %swap3A_365], %broadcast_in_dim3A_13 {strides = array<i32>} : memref<16x512xf32, #tpu.memory_space<vmem>>, vector<16xf32>,
      %swap3A_367 = arith.index_cast %scan3A_311 : i32 to index
      %swap3A_368 = arith.constant 288 : index
      %swap3A_369 = tpu.vector_load %arg11[%swap3A_367, %swap3A_368] {strides = array<i32>} : memref<16x512xf32, #tpu.memory_space<vmem>>, vector<16xf32>,
      tpu.vector_store %arg11[%swap3A_367, %swap3A_368], %broadcast_in_dim3A_13 {strides = array<i32>} : memref<16x512xf32, #tpu.memory_space<vmem>>, vector<16xf32>,
      %swap3A_370 = arith.index_cast %scan3A_311 : i32 to index
      %swap3A_371 = arith.constant 304 : index
      %swap3A_372 = tpu.vector_load %arg11[%swap3A_370, %swap3A_371] {strides = array<i32>} : memref<16x512xf32, #tpu.memory_space<vmem>>, vector<16xf32>,
      tpu.vector_store %arg11[%swap3A_370, %swap3A_371], %broadcast_in_dim3A_13 {strides = array<i32>} : memref<16x512xf32, #tpu.memory_space<vmem>>, vector<16xf32>,
      %swap3A_373 = arith.index_cast %scan3A_311 : i32 to index
      %swap3A_374 = arith.constant 320 : index
      %swap3A_375 = tpu.vector_load %arg11[%swap3A_373, %swap3A_374] {strides = array<i32>} : memref<16x512xf32, #tpu.memory_space<vmem>>, vector<16xf32>,
      tpu.vector_store %arg11[%swap3A_373, %swap3A_374], %broadcast_in_dim3A_13 {strides = array<i32>} : memref<16x512xf32, #tpu.memory_space<vmem>>, vector<16xf32>,
      %swap3A_376 = arith.index_cast %scan3A_311 : i32 to index
      %swap3A_377 = arith.constant 336 : index
      %swap3A_378 = tpu.vector_load %arg11[%swap3A_376, %swap3A_377] {strides = array<i32>} : memref<16x512xf32, #tpu.memory_space<vmem>>, vector<16xf32>,
      tpu.vector_store %arg11[%swap3A_376, %swap3A_377], %broadcast_in_dim3A_13 {strides = array<i32>} : memref<16x512xf32, #tpu.memory_space<vmem>>, vector<16xf32>,
      %swap3A_379 = arith.index_cast %scan3A_311 : i32 to index
      %swap3A_380 = arith.constant 352 : index
      %swap3A_381 = tpu.vector_load %arg11[%swap3A_379, %swap3A_380] {strides = array<i32>} : memref<16x512xf32, #tpu.memory_space<vmem>>, vector<16xf32>,
      tpu.vector_store %arg11[%swap3A_379, %swap3A_380], %broadcast_in_dim3A_13 {strides = array<i32>} : memref<16x512xf32, #tpu.memory_space<vmem>>, vector<16xf32>,
      %swap3A_382 = arith.index_cast %scan3A_311 : i32 to index
      %swap3A_383 = arith.constant 368 : index
      %swap3A_384 = tpu.vector_load %arg11[%swap3A_382, %swap3A_383] {strides = array<i32>} : memref<16x512xf32, #tpu.memory_space<vmem>>, vector<16xf32>,
      tpu.vector_store %arg11[%swap3A_382, %swap3A_383], %broadcast_in_dim3A_13 {strides = array<i32>} : memref<16x512xf32, #tpu.memory_space<vmem>>, vector<16xf32>,
      %swap3A_385 = arith.index_cast %scan3A_311 : i32 to index
      %swap3A_386 = arith.constant 384 : index
      %swap3A_387 = tpu.vector_load %arg11[%swap3A_385, %swap3A_386] {strides = array<i32>} : memref<16x512xf32, #tpu.memory_space<vmem>>, vector<16xf32>,
      tpu.vector_store %arg11[%swap3A_385, %swap3A_386], %broadcast_in_dim3A_13 {strides = array<i32>} : memref<16x512xf32, #tpu.memory_space<vmem>>, vector<16xf32>,
      %swap3A_388 = arith.index_cast %scan3A_311 : i32 to index
      %swap3A_389 = arith.constant 400 : index
      %swap3A_390 = tpu.vector_load %arg11[%swap3A_388, %swap3A_389] {strides = array<i32>} : memref<16x512xf32, #tpu.memory_space<vmem>>, vector<16xf32>,
      tpu.vector_store %arg11[%swap3A_388, %swap3A_389], %broadcast_in_dim3A_13 {strides = array<i32>} : memref<16x512xf32, #tpu.memory_space<vmem>>, vector<16xf32>,
      %swap3A_391 = arith.index_cast %scan3A_311 : i32 to index
      %swap3A_392 = arith.constant 416 : index
      %swap3A_393 = tpu.vector_load %arg11[%swap3A_391, %swap3A_392] {strides = array<i32>} : memref<16x512xf32, #tpu.memory_space<vmem>>, vector<16xf32>,
      tpu.vector_store %arg11[%swap3A_391, %swap3A_392], %broadcast_in_dim3A_13 {strides = array<i32>} : memref<16x512xf32, #tpu.memory_space<vmem>>, vector<16xf32>,
      %swap3A_394 = arith.index_cast %scan3A_311 : i32 to index
      %swap3A_395 = arith.constant 432 : index
      %swap3A_396 = tpu.vector_load %arg11[%swap3A_394, %swap3A_395] {strides = array<i32>} : memref<16x512xf32, #tpu.memory_space<vmem>>, vector<16xf32>,
      tpu.vector_store %arg11[%swap3A_394, %swap3A_395], %broadcast_in_dim3A_13 {strides = array<i32>} : memref<16x512xf32, #tpu.memory_space<vmem>>, vector<16xf32>,
      %swap3A_397 = arith.index_cast %scan3A_311 : i32 to index
      %swap3A_398 = arith.constant 448 : index
      %swap3A_399 = tpu.vector_load %arg11[%swap3A_397, %swap3A_398] {strides = array<i32>} : memref<16x512xf32, #tpu.memory_space<vmem>>, vector<16xf32>,
      tpu.vector_store %arg11[%swap3A_397, %swap3A_398], %broadcast_in_dim3A_13 {strides = array<i32>} : memref<16x512xf32, #tpu.memory_space<vmem>>, vector<16xf32>,
      %swap3A_400 = arith.index_cast %scan3A_311 : i32 to index
      %swap3A_401 = arith.constant 464 : index
      %swap3A_402 = tpu.vector_load %arg11[%swap3A_400, %swap3A_401] {strides = array<i32>} : memref<16x512xf32, #tpu.memory_space<vmem>>, vector<16xf32>,
      tpu.vector_store %arg11[%swap3A_400, %swap3A_401], %broadcast_in_dim3A_13 {strides = array<i32>} : memref<16x512xf32, #tpu.memory_space<vmem>>, vector<16xf32>,
      %swap3A_403 = arith.index_cast %scan3A_311 : i32 to index
      %swap3A_404 = arith.constant 480 : index
      %swap3A_405 = tpu.vector_load %arg11[%swap3A_403, %swap3A_404] {strides = array<i32>} : memref<16x512xf32, #tpu.memory_space<vmem>>, vector<16xf32>,
      tpu.vector_store %arg11[%swap3A_403, %swap3A_404], %broadcast_in_dim3A_13 {strides = array<i32>} : memref<16x512xf32, #tpu.memory_space<vmem>>, vector<16xf32>,
      %swap3A_406 = arith.index_cast %scan3A_311 : i32 to index
      %swap3A_407 = arith.constant 496 : index
      %swap3A_408 = tpu.vector_load %arg11[%swap3A_406, %swap3A_407] {strides = array<i32>} : memref<16x512xf32, #tpu.memory_space<vmem>>, vector<16xf32>,
      tpu.vector_store %arg11[%swap3A_406, %swap3A_407], %broadcast_in_dim3A_13 {strides = array<i32>} : memref<16x512xf32, #tpu.memory_space<vmem>>, vector<16xf32>,
      %scan3A_409 = arith.constant 0 : i32
      scf.yield %scan3A_409 : i32
    }
    %scan3A_19 = arith.constant 16 : i32
    %dma_wait3A = arith.constant 0 : i32
    %dma_wait3A_20 = tpu.memref_slice %arg3[%dma_wait3A, %multiple_of3A] : memref<2x320000xi32, #tpu.memory_space<hbm>> -> memref<2x10240xi32, #tpu.memory_space<hbm>>
    %dma_wait3A_21 = arith.constant 0 : i32
    %dma_wait3A_22 = tpu.memref_slice %arg3[%dma_wait3A_21, %multiple_of3A] : memref<2x320000xi32, #tpu.memory_space<hbm>> -> memref<2x10240xi32, #tpu.memory_space<hbm>>
    tpu.wait_dma2 semaphore(%arg14 : memref<!tpu.dma_semaphore, #tpu.memory_space<semaphore_mem>>) src(%dma_wait3A_22 : memref<2x10240xi32, #tpu.memory_space<hbm>>) dst(%arg7 : memref<2x10240xi32, #tpu.memory_space<vmem>>)
    %dma_wait3A_23 = tpu.memref_slice %arg4[%mul3A_2] : memref<320000xi32, #tpu.memory_space<hbm>> -> memref<10000xi32, #tpu.memory_space<hbm>>
    %dma_wait3A_24 = tpu.memref_slice %arg4[%mul3A_2] : memref<320000xi32, #tpu.memory_space<hbm>> -> memref<10000xi32, #tpu.memory_space<hbm>>
    tpu.wait_dma2 semaphore(%arg14 : memref<!tpu.dma_semaphore, #tpu.memory_space<semaphore_mem>>) src(%dma_wait3A_24 : memref<10000xi32, #tpu.memory_space<hbm>>) dst(%arg8 : memref<10000xi32, #tpu.memory_space<vmem>>)
    %iota3A = tpu.iota {dimensions = array<i32: 0>} : vector<16xi32>
    %scan3A_25 = arith.constant 0 : i32
    %scan3A_26 = arith.constant 0 : i32
    %scan3A_27 = arith.constant 78 : i32
    %scan3A_28 = arith.addi %scan3A_26, %scan3A_27 : i32
    %scan3A_29 = arith.constant 1 : i32
    %scan3A_30 = scf.for %scan3A_311 = %scan3A_26 to %scan3A_28 step %scan3A_29 iter_args(%scan3A_312 = %scan3A_25) -> (i32)  : i32 {
      %mul3A_313 = arith.constant 128 : i32
      %mul3A_314 = arith.muli %scan3A_311, %mul3A_313 : i32
      %add3A_315 = arith.addi %sub3A, %mul3A_314 : i32
      %add3A_316 = arith.constant 0 : i32
      %add3A_317 = arith.addi %add3A_315, %add3A_316 : i32
      %get3A_318 = arith.constant 0 : i32
      %get3A_319 = arith.index_cast %get3A_318 : i32 to index
      %get3A_320 = arith.index_cast %add3A_317 : i32 to index
      %get3A_321 = tpu.vector_load %arg7[%get3A_319, %get3A_320] {strides = array<i32>} : memref<2x10240xi32, #tpu.memory_space<vmem>>, vector<16xi32>,
      %mul3A_322 = arith.constant 128 : i32
      %mul3A_323 = arith.muli %scan3A_311, %mul3A_322 : i32
      %add3A_324 = arith.constant 0 : i32
      %add3A_325 = arith.addi %mul3A_323, %add3A_324 : i32
      %get3A_326 = arith.index_cast %add3A_325 : i32 to index
      %get3A_327 = tpu.vector_load %arg8[%get3A_326] {strides = array<i32>} : memref<10000xi32, #tpu.memory_space<vmem>>, vector<16xi32>,
      %shift_right_arithmetic3A_328 = arith.constant 7 : i32
      %shift_right_arithmetic3A_329 = vector.broadcast %shift_right_arithmetic3A_328 : i32 to vector<16xi32>
      %shift_right_arithmetic3A_330 = arith.shrsi %get3A_327, %shift_right_arithmetic3A_329 : vector<16xi32>
      %mul3A_331 = arith.constant 1310720 : i32
      %mul3A_332 = vector.broadcast %mul3A_331 : i32 to vector<16xi32>
      %mul3A_333 = arith.muli %shift_right_arithmetic3A_330, %mul3A_332 : vector<16xi32>
      %shift_left3A_334 = arith.constant 7 : i32
      %shift_left3A_335 = vector.broadcast %shift_left3A_334 : i32 to vector<16xi32>
      %shift_left3A_336 = arith.shli %get3A_321, %shift_left3A_335 : vector<16xi32>
      %add3A_337 = arith.addi %mul3A_333, %shift_left3A_336 : vector<16xi32>
      %and3A_338 = arith.constant 127 : i32
      %and3A_339 = vector.broadcast %and3A_338 : i32 to vector<16xi32>
      %and3A_340 = arith.andi %get3A_327, %and3A_339 : vector<16xi32>
      %add3A_341 = arith.addi %add3A_337, %and3A_340 : vector<16xi32>
      %swap3A_342 = arith.index_cast %scan3A_311 : i32 to index
      %swap3A_343 = arith.constant 0 : index
      %swap3A_344 = tpu.vector_load %arg9[%swap3A_342, %swap3A_343] {strides = array<i32>} : memref<80x128xi32, #tpu.memory_space<vmem>>, vector<16xi32>,
      tpu.vector_store %arg9[%swap3A_342, %swap3A_343], %add3A_341 {strides = array<i32>} : memref<80x128xi32, #tpu.memory_space<vmem>>, vector<16xi32>,
      %mul3A_345 = arith.constant 128 : i32
      %mul3A_346 = arith.muli %scan3A_311, %mul3A_345 : i32
      %add3A_347 = arith.addi %sub3A, %mul3A_346 : i32
      %add3A_348 = arith.constant 16 : i32
      %add3A_349 = arith.addi %add3A_347, %add3A_348 : i32
      %get3A_350 = arith.constant 0 : i32
      %get3A_351 = arith.index_cast %get3A_350 : i32 to index
      %get3A_352 = arith.index_cast %add3A_349 : i32 to index
      %get3A_353 = tpu.vector_load %arg7[%get3A_351, %get3A_352] {strides = array<i32>} : memref<2x10240xi32, #tpu.memory_space<vmem>>, vector<16xi32>,
      %mul3A_354 = arith.constant 128 : i32
      %mul3A_355 = arith.muli %scan3A_311, %mul3A_354 : i32
      %add3A_356 = arith.constant 16 : i32
      %add3A_357 = arith.addi %mul3A_355, %add3A_356 : i32
      %get3A_358 = arith.index_cast %add3A_357 : i32 to index
      %get3A_359 = tpu.vector_load %arg8[%get3A_358] {strides = array<i32>} : memref<10000xi32, #tpu.memory_space<vmem>>, vector<16xi32>,
      %shift_right_arithmetic3A_360 = arith.constant 7 : i32
      %shift_right_arithmetic3A_361 = vector.broadcast %shift_right_arithmetic3A_360 : i32 to vector<16xi32>
      %shift_right_arithmetic3A_362 = arith.shrsi %get3A_359, %shift_right_arithmetic3A_361 : vector<16xi32>
      %mul3A_363 = arith.constant 1310720 : i32
      %mul3A_364 = vector.broadcast %mul3A_363 : i32 to vector<16xi32>
      %mul3A_365 = arith.muli %shift_right_arithmetic3A_362, %mul3A_364 : vector<16xi32>
      %shift_left3A_366 = arith.constant 7 : i32
      %shift_left3A_367 = vector.broadcast %shift_left3A_366 : i32 to vector<16xi32>
      %shift_left3A_368 = arith.shli %get3A_353, %shift_left3A_367 : vector<16xi32>
      %add3A_369 = arith.addi %mul3A_365, %shift_left3A_368 : vector<16xi32>
      %and3A_370 = arith.constant 127 : i32
      %and3A_371 = vector.broadcast %and3A_370 : i32 to vector<16xi32>
      %and3A_372 = arith.andi %get3A_359, %and3A_371 : vector<16xi32>
      %add3A_373 = arith.addi %add3A_369, %and3A_372 : vector<16xi32>
      %swap3A_374 = arith.index_cast %scan3A_311 : i32 to index
      %swap3A_375 = arith.constant 16 : index
      %swap3A_376 = tpu.vector_load %arg9[%swap3A_374, %swap3A_375] {strides = array<i32>} : memref<80x128xi32, #tpu.memory_space<vmem>>, vector<16xi32>,
      tpu.vector_store %arg9[%swap3A_374, %swap3A_375], %add3A_373 {strides = array<i32>} : memref<80x128xi32, #tpu.memory_space<vmem>>, vector<16xi32>,
      %mul3A_377 = arith.constant 128 : i32
      %mul3A_378 = arith.muli %scan3A_311, %mul3A_377 : i32
      %add3A_379 = arith.addi %sub3A, %mul3A_378 : i32
      %add3A_380 = arith.constant 32 : i32
      %add3A_381 = arith.addi %add3A_379, %add3A_380 : i32
      %get3A_382 = arith.constant 0 : i32
      %get3A_383 = arith.index_cast %get3A_382 : i32 to index
      %get3A_384 = arith.index_cast %add3A_381 : i32 to index
      %get3A_385 = tpu.vector_load %arg7[%get3A_383, %get3A_384] {strides = array<i32>} : memref<2x10240xi32, #tpu.memory_space<vmem>>, vector<16xi32>,
      %mul3A_386 = arith.constant 128 : i32
      %mul3A_387 = arith.muli %scan3A_311, %mul3A_386 : i32
      %add3A_388 = arith.constant 32 : i32
      %add3A_389 = arith.addi %mul3A_387, %add3A_388 : i32
      %get3A_390 = arith.index_cast %add3A_389 : i32 to index
      %get3A_391 = tpu.vector_load %arg8[%get3A_390] {strides = array<i32>} : memref<10000xi32, #tpu.memory_space<vmem>>, vector<16xi32>,
      %shift_right_arithmetic3A_392 = arith.constant 7 : i32
      %shift_right_arithmetic3A_393 = vector.broadcast %shift_right_arithmetic3A_392 : i32 to vector<16xi32>
      %shift_right_arithmetic3A_394 = arith.shrsi %get3A_391, %shift_right_arithmetic3A_393 : vector<16xi32>
      %mul3A_395 = arith.constant 1310720 : i32
      %mul3A_396 = vector.broadcast %mul3A_395 : i32 to vector<16xi32>
      %mul3A_397 = arith.muli %shift_right_arithmetic3A_394, %mul3A_396 : vector<16xi32>
      %shift_left3A_398 = arith.constant 7 : i32
      %shift_left3A_399 = vector.broadcast %shift_left3A_398 : i32 to vector<16xi32>
      %shift_left3A_400 = arith.shli %get3A_385, %shift_left3A_399 : vector<16xi32>
      %add3A_401 = arith.addi %mul3A_397, %shift_left3A_400 : vector<16xi32>
      %and3A_402 = arith.constant 127 : i32
      %and3A_403 = vector.broadcast %and3A_402 : i32 to vector<16xi32>
      %and3A_404 = arith.andi %get3A_391, %and3A_403 : vector<16xi32>
      %add3A_405 = arith.addi %add3A_401, %and3A_404 : vector<16xi32>
      %swap3A_406 = arith.index_cast %scan3A_311 : i32 to index
      %swap3A_407 = arith.constant 32 : index
      %swap3A_408 = tpu.vector_load %arg9[%swap3A_406, %swap3A_407] {strides = array<i32>} : memref<80x128xi32, #tpu.memory_space<vmem>>, vector<16xi32>,
      tpu.vector_store %arg9[%swap3A_406, %swap3A_407], %add3A_405 {strides = array<i32>} : memref<80x128xi32, #tpu.memory_space<vmem>>, vector<16xi32>,
      %mul3A_409 = arith.constant 128 : i32
      %mul3A_410 = arith.muli %scan3A_311, %mul3A_409 : i32
      %add3A_411 = arith.addi %sub3A, %mul3A_410 : i32
      %add3A_412 = arith.constant 48 : i32
      %add3A_413 = arith.addi %add3A_411, %add3A_412 : i32
      %get3A_414 = arith.constant 0 : i32
      %get3A_415 = arith.index_cast %get3A_414 : i32 to index
      %get3A_416 = arith.index_cast %add3A_413 : i32 to index
      %get3A_417 = tpu.vector_load %arg7[%get3A_415, %get3A_416] {strides = array<i32>} : memref<2x10240xi32, #tpu.memory_space<vmem>>, vector<16xi32>,
      %mul3A_418 = arith.constant 128 : i32
      %mul3A_419 = arith.muli %scan3A_311, %mul3A_418 : i32
      %add3A_420 = arith.constant 48 : i32
      %add3A_421 = arith.addi %mul3A_419, %add3A_420 : i32
      %get3A_422 = arith.index_cast %add3A_421 : i32 to index
      %get3A_423 = tpu.vector_load %arg8[%get3A_422] {strides = array<i32>} : memref<10000xi32, #tpu.memory_space<vmem>>, vector<16xi32>,
      %shift_right_arithmetic3A_424 = arith.constant 7 : i32
      %shift_right_arithmetic3A_425 = vector.broadcast %shift_right_arithmetic3A_424 : i32 to vector<16xi32>
      %shift_right_arithmetic3A_426 = arith.shrsi %get3A_423, %shift_right_arithmetic3A_425 : vector<16xi32>
      %mul3A_427 = arith.constant 1310720 : i32
      %mul3A_428 = vector.broadcast %mul3A_427 : i32 to vector<16xi32>
      %mul3A_429 = arith.muli %shift_right_arithmetic3A_426, %mul3A_428 : vector<16xi32>
      %shift_left3A_430 = arith.constant 7 : i32
      %shift_left3A_431 = vector.broadcast %shift_left3A_430 : i32 to vector<16xi32>
      %shift_left3A_432 = arith.shli %get3A_417, %shift_left3A_431 : vector<16xi32>
      %add3A_433 = arith.addi %mul3A_429, %shift_left3A_432 : vector<16xi32>
      %and3A_434 = arith.constant 127 : i32
      %and3A_435 = vector.broadcast %and3A_434 : i32 to vector<16xi32>
      %and3A_436 = arith.andi %get3A_423, %and3A_435 : vector<16xi32>
      %add3A_437 = arith.addi %add3A_433, %and3A_436 : vector<16xi32>
      %swap3A_438 = arith.index_cast %scan3A_311 : i32 to index
      %swap3A_439 = arith.constant 48 : index
      %swap3A_440 = tpu.vector_load %arg9[%swap3A_438, %swap3A_439] {strides = array<i32>} : memref<80x128xi32, #tpu.memory_space<vmem>>, vector<16xi32>,
      tpu.vector_store %arg9[%swap3A_438, %swap3A_439], %add3A_437 {strides = array<i32>} : memref<80x128xi32, #tpu.memory_space<vmem>>, vector<16xi32>,
      %mul3A_441 = arith.constant 128 : i32
      %mul3A_442 = arith.muli %scan3A_311, %mul3A_441 : i32
      %add3A_443 = arith.addi %sub3A, %mul3A_442 : i32
      %add3A_444 = arith.constant 64 : i32
      %add3A_445 = arith.addi %add3A_443, %add3A_444 : i32
      %get3A_446 = arith.constant 0 : i32
      %get3A_447 = arith.index_cast %get3A_446 : i32 to index
      %get3A_448 = arith.index_cast %add3A_445 : i32 to index
      %get3A_449 = tpu.vector_load %arg7[%get3A_447, %get3A_448] {strides = array<i32>} : memref<2x10240xi32, #tpu.memory_space<vmem>>, vector<16xi32>,
      %mul3A_450 = arith.constant 128 : i32
      %mul3A_451 = arith.muli %scan3A_311, %mul3A_450 : i32
      %add3A_452 = arith.constant 64 : i32
      %add3A_453 = arith.addi %mul3A_451, %add3A_452 : i32
      %get3A_454 = arith.index_cast %add3A_453 : i32 to index
      %get3A_455 = tpu.vector_load %arg8[%get3A_454] {strides = array<i32>} : memref<10000xi32, #tpu.memory_space<vmem>>, vector<16xi32>,
      %shift_right_arithmetic3A_456 = arith.constant 7 : i32
      %shift_right_arithmetic3A_457 = vector.broadcast %shift_right_arithmetic3A_456 : i32 to vector<16xi32>
      %shift_right_arithmetic3A_458 = arith.shrsi %get3A_455, %shift_right_arithmetic3A_457 : vector<16xi32>
      %mul3A_459 = arith.constant 1310720 : i32
      %mul3A_460 = vector.broadcast %mul3A_459 : i32 to vector<16xi32>
      %mul3A_461 = arith.muli %shift_right_arithmetic3A_458, %mul3A_460 : vector<16xi32>
      %shift_left3A_462 = arith.constant 7 : i32
      %shift_left3A_463 = vector.broadcast %shift_left3A_462 : i32 to vector<16xi32>
      %shift_left3A_464 = arith.shli %get3A_449, %shift_left3A_463 : vector<16xi32>
      %add3A_465 = arith.addi %mul3A_461, %shift_left3A_464 : vector<16xi32>
      %and3A_466 = arith.constant 127 : i32
      %and3A_467 = vector.broadcast %and3A_466 : i32 to vector<16xi32>
      %and3A_468 = arith.andi %get3A_455, %and3A_467 : vector<16xi32>
      %add3A_469 = arith.addi %add3A_465, %and3A_468 : vector<16xi32>
      %swap3A_470 = arith.index_cast %scan3A_311 : i32 to index
      %swap3A_471 = arith.constant 64 : index
      %swap3A_472 = tpu.vector_load %arg9[%swap3A_470, %swap3A_471] {strides = array<i32>} : memref<80x128xi32, #tpu.memory_space<vmem>>, vector<16xi32>,
      tpu.vector_store %arg9[%swap3A_470, %swap3A_471], %add3A_469 {strides = array<i32>} : memref<80x128xi32, #tpu.memory_space<vmem>>, vector<16xi32>,
      %mul3A_473 = arith.constant 128 : i32
      %mul3A_474 = arith.muli %scan3A_311, %mul3A_473 : i32
      %add3A_475 = arith.addi %sub3A, %mul3A_474 : i32
      %add3A_476 = arith.constant 80 : i32
      %add3A_477 = arith.addi %add3A_475, %add3A_476 : i32
      %get3A_478 = arith.constant 0 : i32
      %get3A_479 = arith.index_cast %get3A_478 : i32 to index
      %get3A_480 = arith.index_cast %add3A_477 : i32 to index
      %get3A_481 = tpu.vector_load %arg7[%get3A_479, %get3A_480] {strides = array<i32>} : memref<2x10240xi32, #tpu.memory_space<vmem>>, vector<16xi32>,
      %mul3A_482 = arith.constant 128 : i32
      %mul3A_483 = arith.muli %scan3A_311, %mul3A_482 : i32
      %add3A_484 = arith.constant 80 : i32
      %add3A_485 = arith.addi %mul3A_483, %add3A_484 : i32
      %get3A_486 = arith.index_cast %add3A_485 : i32 to index
      %get3A_487 = tpu.vector_load %arg8[%get3A_486] {strides = array<i32>} : memref<10000xi32, #tpu.memory_space<vmem>>, vector<16xi32>,
      %shift_right_arithmetic3A_488 = arith.constant 7 : i32
      %shift_right_arithmetic3A_489 = vector.broadcast %shift_right_arithmetic3A_488 : i32 to vector<16xi32>
      %shift_right_arithmetic3A_490 = arith.shrsi %get3A_487, %shift_right_arithmetic3A_489 : vector<16xi32>
      %mul3A_491 = arith.constant 1310720 : i32
      %mul3A_492 = vector.broadcast %mul3A_491 : i32 to vector<16xi32>
      %mul3A_493 = arith.muli %shift_right_arithmetic3A_490, %mul3A_492 : vector<16xi32>
      %shift_left3A_494 = arith.constant 7 : i32
      %shift_left3A_495 = vector.broadcast %shift_left3A_494 : i32 to vector<16xi32>
      %shift_left3A_496 = arith.shli %get3A_481, %shift_left3A_495 : vector<16xi32>
      %add3A_497 = arith.addi %mul3A_493, %shift_left3A_496 : vector<16xi32>
      %and3A_498 = arith.constant 127 : i32
      %and3A_499 = vector.broadcast %and3A_498 : i32 to vector<16xi32>
      %and3A_500 = arith.andi %get3A_487, %and3A_499 : vector<16xi32>
      %add3A_501 = arith.addi %add3A_497, %and3A_500 : vector<16xi32>
      %swap3A_502 = arith.index_cast %scan3A_311 : i32 to index
      %swap3A_503 = arith.constant 80 : index
      %swap3A_504 = tpu.vector_load %arg9[%swap3A_502, %swap3A_503] {strides = array<i32>} : memref<80x128xi32, #tpu.memory_space<vmem>>, vector<16xi32>,
      tpu.vector_store %arg9[%swap3A_502, %swap3A_503], %add3A_501 {strides = array<i32>} : memref<80x128xi32, #tpu.memory_space<vmem>>, vector<16xi32>,
      %mul3A_505 = arith.constant 128 : i32
      %mul3A_506 = arith.muli %scan3A_311, %mul3A_505 : i32
      %add3A_507 = arith.addi %sub3A, %mul3A_506 : i32
      %add3A_508 = arith.constant 96 : i32
      %add3A_509 = arith.addi %add3A_507, %add3A_508 : i32
      %get3A_510 = arith.constant 0 : i32
      %get3A_511 = arith.index_cast %get3A_510 : i32 to index
      %get3A_512 = arith.index_cast %add3A_509 : i32 to index
      %get3A_513 = tpu.vector_load %arg7[%get3A_511, %get3A_512] {strides = array<i32>} : memref<2x10240xi32, #tpu.memory_space<vmem>>, vector<16xi32>,
      %mul3A_514 = arith.constant 128 : i32
      %mul3A_515 = arith.muli %scan3A_311, %mul3A_514 : i32
      %add3A_516 = arith.constant 96 : i32
      %add3A_517 = arith.addi %mul3A_515, %add3A_516 : i32
      %get3A_518 = arith.index_cast %add3A_517 : i32 to index
      %get3A_519 = tpu.vector_load %arg8[%get3A_518] {strides = array<i32>} : memref<10000xi32, #tpu.memory_space<vmem>>, vector<16xi32>,
      %shift_right_arithmetic3A_520 = arith.constant 7 : i32
      %shift_right_arithmetic3A_521 = vector.broadcast %shift_right_arithmetic3A_520 : i32 to vector<16xi32>
      %shift_right_arithmetic3A_522 = arith.shrsi %get3A_519, %shift_right_arithmetic3A_521 : vector<16xi32>
      %mul3A_523 = arith.constant 1310720 : i32
      %mul3A_524 = vector.broadcast %mul3A_523 : i32 to vector<16xi32>
      %mul3A_525 = arith.muli %shift_right_arithmetic3A_522, %mul3A_524 : vector<16xi32>
      %shift_left3A_526 = arith.constant 7 : i32
      %shift_left3A_527 = vector.broadcast %shift_left3A_526 : i32 to vector<16xi32>
      %shift_left3A_528 = arith.shli %get3A_513, %shift_left3A_527 : vector<16xi32>
      %add3A_529 = arith.addi %mul3A_525, %shift_left3A_528 : vector<16xi32>
      %and3A_530 = arith.constant 127 : i32
      %and3A_531 = vector.broadcast %and3A_530 : i32 to vector<16xi32>
      %and3A_532 = arith.andi %get3A_519, %and3A_531 : vector<16xi32>
      %add3A_533 = arith.addi %add3A_529, %and3A_532 : vector<16xi32>
      %swap3A_534 = arith.index_cast %scan3A_311 : i32 to index
      %swap3A_535 = arith.constant 96 : index
      %swap3A_536 = tpu.vector_load %arg9[%swap3A_534, %swap3A_535] {strides = array<i32>} : memref<80x128xi32, #tpu.memory_space<vmem>>, vector<16xi32>,
      tpu.vector_store %arg9[%swap3A_534, %swap3A_535], %add3A_533 {strides = array<i32>} : memref<80x128xi32, #tpu.memory_space<vmem>>, vector<16xi32>,
      %mul3A_537 = arith.constant 128 : i32
      %mul3A_538 = arith.muli %scan3A_311, %mul3A_537 : i32
      %add3A_539 = arith.addi %sub3A, %mul3A_538 : i32
      %add3A_540 = arith.constant 112 : i32
      %add3A_541 = arith.addi %add3A_539, %add3A_540 : i32
      %get3A_542 = arith.constant 0 : i32
      %get3A_543 = arith.index_cast %get3A_542 : i32 to index
      %get3A_544 = arith.index_cast %add3A_541 : i32 to index
      %get3A_545 = tpu.vector_load %arg7[%get3A_543, %get3A_544] {strides = array<i32>} : memref<2x10240xi32, #tpu.memory_space<vmem>>, vector<16xi32>,
      %mul3A_546 = arith.constant 128 : i32
      %mul3A_547 = arith.muli %scan3A_311, %mul3A_546 : i32
      %add3A_548 = arith.constant 112 : i32
      %add3A_549 = arith.addi %mul3A_547, %add3A_548 : i32
      %get3A_550 = arith.index_cast %add3A_549 : i32 to index
      %get3A_551 = tpu.vector_load %arg8[%get3A_550] {strides = array<i32>} : memref<10000xi32, #tpu.memory_space<vmem>>, vector<16xi32>,
      %shift_right_arithmetic3A_552 = arith.constant 7 : i32
      %shift_right_arithmetic3A_553 = vector.broadcast %shift_right_arithmetic3A_552 : i32 to vector<16xi32>
      %shift_right_arithmetic3A_554 = arith.shrsi %get3A_551, %shift_right_arithmetic3A_553 : vector<16xi32>
      %mul3A_555 = arith.constant 1310720 : i32
      %mul3A_556 = vector.broadcast %mul3A_555 : i32 to vector<16xi32>
      %mul3A_557 = arith.muli %shift_right_arithmetic3A_554, %mul3A_556 : vector<16xi32>
      %shift_left3A_558 = arith.constant 7 : i32
      %shift_left3A_559 = vector.broadcast %shift_left3A_558 : i32 to vector<16xi32>
      %shift_left3A_560 = arith.shli %get3A_545, %shift_left3A_559 : vector<16xi32>
      %add3A_561 = arith.addi %mul3A_557, %shift_left3A_560 : vector<16xi32>
      %and3A_562 = arith.constant 127 : i32
      %and3A_563 = vector.broadcast %and3A_562 : i32 to vector<16xi32>
      %and3A_564 = arith.andi %get3A_551, %and3A_563 : vector<16xi32>
      %add3A_565 = arith.addi %add3A_561, %and3A_564 : vector<16xi32>
      %swap3A_566 = arith.index_cast %scan3A_311 : i32 to index
      %swap3A_567 = arith.constant 112 : index
      %swap3A_568 = tpu.vector_load %arg9[%swap3A_566, %swap3A_567] {strides = array<i32>} : memref<80x128xi32, #tpu.memory_space<vmem>>, vector<16xi32>,
      tpu.vector_store %arg9[%swap3A_566, %swap3A_567], %add3A_565 {strides = array<i32>} : memref<80x128xi32, #tpu.memory_space<vmem>>, vector<16xi32>,
      %dma_start3A_569 = arith.constant 0 : i32
      %dma_start3A_570 = tpu.memref_slice %arg10[%scan3A_311, %dma_start3A_569] : memref<80x128xf32, #tpu.memory_space<vmem>> -> memref<1x128xf32, #tpu.memory_space<vmem>>
      %dma_start3A_571 = tpu.memref_squeeze %dma_start3A_570 : memref<1x128xf32, #tpu.memory_space<vmem>> -> memref<128xf32, #tpu.memory_space<vmem>>
      %dma_start3A_572 = arith.constant 0 : i32
      %dma_start3A_573 = tpu.memref_slice %arg9[%scan3A_311, %dma_start3A_572] : memref<80x128xi32, #tpu.memory_space<vmem>> -> memref<1x128xi32, #tpu.memory_space<vmem>>
      %dma_start3A_574 = tpu.memref_squeeze %dma_start3A_573 : memref<1x128xi32, #tpu.memory_space<vmem>> -> memref<128xi32, #tpu.memory_space<vmem>>
      %dma_start3A_575 = arith.constant 0 : i32
      %dma_start3A_576 = tpu.memref_slice %arg2[%dma_start3A_575] : memref<5242880xf32, #tpu.memory_space<hbm>> -> memref<5242880xf32, #tpu.memory_space<hbm>>
      tpu.enqueue_indirect_dma source(%dma_start3A_576 : memref<5242880xf32, #tpu.memory_space<hbm>>) target(%dma_start3A_571 : memref<128xf32, #tpu.memory_space<vmem>>) offsets(%dma_start3A_574 : memref<128xi32, #tpu.memory_space<vmem>>) semaphore(%arg14 : memref<!tpu.dma_semaphore, #tpu.memory_space<semaphore_mem>>)
      %scan3A_577 = arith.constant 0 : i32
      scf.yield %scan3A_577 : i32
    }
    %scan3A_31 = arith.constant 78 : i32
    %add3A_32 = arith.constant 9984 : i32
    %add3A_33 = arith.addi %sub3A, %add3A_32 : i32
    %get3A = arith.constant 0 : i32
    %get3A_34 = arith.index_cast %get3A : i32 to index
    %get3A_35 = arith.index_cast %add3A_33 : i32 to index
    %get3A_36 = tpu.vector_load %arg7[%get3A_34, %get3A_35] {strides = array<i32>} : memref<2x10240xi32, #tpu.memory_space<vmem>>, vector<16xi32>,
    %get3A_37 = arith.constant 9984 : index
    %get3A_38 = tpu.vector_load %arg8[%get3A_37] {strides = array<i32>} : memref<10000xi32, #tpu.memory_space<vmem>>, vector<16xi32>,
    %shift_right_arithmetic3A_39 = arith.constant 7 : i32
    %shift_right_arithmetic3A_40 = vector.broadcast %shift_right_arithmetic3A_39 : i32 to vector<16xi32>
    %shift_right_arithmetic3A_41 = arith.shrsi %get3A_38, %shift_right_arithmetic3A_40 : vector<16xi32>
    %mul3A_42 = arith.constant 1310720 : i32
    %mul3A_43 = vector.broadcast %mul3A_42 : i32 to vector<16xi32>
    %mul3A_44 = arith.muli %shift_right_arithmetic3A_41, %mul3A_43 : vector<16xi32>
    %shift_left3A_45 = arith.constant 7 : i32
    %shift_left3A_46 = vector.broadcast %shift_left3A_45 : i32 to vector<16xi32>
    %shift_left3A_47 = arith.shli %get3A_36, %shift_left3A_46 : vector<16xi32>
    %add3A_48 = arith.addi %mul3A_44, %shift_left3A_47 : vector<16xi32>
    %and3A = arith.constant 127 : i32
    %and3A_49 = vector.broadcast %and3A : i32 to vector<16xi32>
    %and3A_50 = arith.andi %get3A_38, %and3A_49 : vector<16xi32>
    %add3A_51 = arith.addi %add3A_48, %and3A_50 : vector<16xi32>
    %swap3A = arith.constant 78 : i32
    %swap3A_52 = arith.index_cast %swap3A : i32 to index
    %swap3A_53 = arith.constant 0 : index
    %swap3A_54 = tpu.vector_load %arg9[%swap3A_52, %swap3A_53] {strides = array<i32>} : memref<80x128xi32, #tpu.memory_space<vmem>>, vector<16xi32>,
    tpu.vector_store %arg9[%swap3A_52, %swap3A_53], %add3A_51 {strides = array<i32>} : memref<80x128xi32, #tpu.memory_space<vmem>>, vector<16xi32>,
    %mul3A_55 = arith.constant 256 : i32
    %mul3A_56 = arith.muli %add3A, %mul3A_55 : i32
    %add3A_57 = arith.constant 16 : i32
    %add3A_58 = arith.addi %mul3A_56, %add3A_57 : i32
    %add3A_59 = vector.broadcast %add3A_58 : i32 to vector<16xi32>
    %add3A_60 = arith.addi %add3A_59, %iota3A : vector<16xi32>
    %shift_left3A_61 = arith.constant 6 : i32
    %shift_left3A_62 = vector.broadcast %shift_left3A_61 : i32 to vector<16xi32>
    %shift_left3A_63 = arith.shli %add3A_60, %shift_left3A_62 : vector<16xi32>
    %swap3A_64 = arith.constant 78 : i32
    %swap3A_65 = arith.index_cast %swap3A_64 : i32 to index
    %swap3A_66 = arith.constant 16 : index
    %swap3A_67 = tpu.vector_load %arg9[%swap3A_65, %swap3A_66] {strides = array<i32>} : memref<80x128xi32, #tpu.memory_space<vmem>>, vector<16xi32>,
    tpu.vector_store %arg9[%swap3A_65, %swap3A_66], %shift_left3A_63 {strides = array<i32>} : memref<80x128xi32, #tpu.memory_space<vmem>>, vector<16xi32>,
    %add3A_68 = arith.constant 144 : i32
    %add3A_69 = arith.addi %mul3A_56, %add3A_68 : i32
    %add3A_70 = vector.broadcast %add3A_69 : i32 to vector<16xi32>
    %add3A_71 = arith.addi %add3A_70, %iota3A : vector<16xi32>
    %shift_left3A_72 = arith.constant 6 : i32
    %shift_left3A_73 = vector.broadcast %shift_left3A_72 : i32 to vector<16xi32>
    %shift_left3A_74 = arith.shli %add3A_71, %shift_left3A_73 : vector<16xi32>
    %swap3A_75 = arith.constant 79 : i32
    %swap3A_76 = arith.index_cast %swap3A_75 : i32 to index
    %swap3A_77 = arith.constant 16 : index
    %swap3A_78 = tpu.vector_load %arg9[%swap3A_76, %swap3A_77] {strides = array<i32>} : memref<80x128xi32, #tpu.memory_space<vmem>>, vector<16xi32>,
    tpu.vector_store %arg9[%swap3A_76, %swap3A_77], %shift_left3A_74 {strides = array<i32>} : memref<80x128xi32, #tpu.memory_space<vmem>>, vector<16xi32>,
    %add3A_79 = arith.constant 32 : i32
    %add3A_80 = arith.addi %mul3A_56, %add3A_79 : i32
    %add3A_81 = vector.broadcast %add3A_80 : i32 to vector<16xi32>
    %add3A_82 = arith.addi %add3A_81, %iota3A : vector<16xi32>
    %shift_left3A_83 = arith.constant 6 : i32
    %shift_left3A_84 = vector.broadcast %shift_left3A_83 : i32 to vector<16xi32>
    %shift_left3A_85 = arith.shli %add3A_82, %shift_left3A_84 : vector<16xi32>
    %swap3A_86 = arith.constant 78 : i32
    %swap3A_87 = arith.index_cast %swap3A_86 : i32 to index
    %swap3A_88 = arith.constant 32 : index
    %swap3A_89 = tpu.vector_load %arg9[%swap3A_87, %swap3A_88] {strides = array<i32>} : memref<80x128xi32, #tpu.memory_space<vmem>>, vector<16xi32>,
    tpu.vector_store %arg9[%swap3A_87, %swap3A_88], %shift_left3A_85 {strides = array<i32>} : memref<80x128xi32, #tpu.memory_space<vmem>>, vector<16xi32>,
    %add3A_90 = arith.constant 160 : i32
    %add3A_91 = arith.addi %mul3A_56, %add3A_90 : i32
    %add3A_92 = vector.broadcast %add3A_91 : i32 to vector<16xi32>
    %add3A_93 = arith.addi %add3A_92, %iota3A : vector<16xi32>
    %shift_left3A_94 = arith.constant 6 : i32
    %shift_left3A_95 = vector.broadcast %shift_left3A_94 : i32 to vector<16xi32>
    %shift_left3A_96 = arith.shli %add3A_93, %shift_left3A_95 : vector<16xi32>
    %swap3A_97 = arith.constant 79 : i32
    %swap3A_98 = arith.index_cast %swap3A_97 : i32 to index
    %swap3A_99 = arith.constant 32 : index
    %swap3A_100 = tpu.vector_load %arg9[%swap3A_98, %swap3A_99] {strides = array<i32>} : memref<80x128xi32, #tpu.memory_space<vmem>>, vector<16xi32>,
    tpu.vector_store %arg9[%swap3A_98, %swap3A_99], %shift_left3A_96 {strides = array<i32>} : memref<80x128xi32, #tpu.memory_space<vmem>>, vector<16xi32>,
    %add3A_101 = arith.constant 48 : i32
    %add3A_102 = arith.addi %mul3A_56, %add3A_101 : i32
    %add3A_103 = vector.broadcast %add3A_102 : i32 to vector<16xi32>
    %add3A_104 = arith.addi %add3A_103, %iota3A : vector<16xi32>
    %shift_left3A_105 = arith.constant 6 : i32
    %shift_left3A_106 = vector.broadcast %shift_left3A_105 : i32 to vector<16xi32>
    %shift_left3A_107 = arith.shli %add3A_104, %shift_left3A_106 : vector<16xi32>
    %swap3A_108 = arith.constant 78 : i32
    %swap3A_109 = arith.index_cast %swap3A_108 : i32 to index
    %swap3A_110 = arith.constant 48 : index
    %swap3A_111 = tpu.vector_load %arg9[%swap3A_109, %swap3A_110] {strides = array<i32>} : memref<80x128xi32, #tpu.memory_space<vmem>>, vector<16xi32>,
    tpu.vector_store %arg9[%swap3A_109, %swap3A_110], %shift_left3A_107 {strides = array<i32>} : memref<80x128xi32, #tpu.memory_space<vmem>>, vector<16xi32>,
    %add3A_112 = arith.constant 176 : i32
    %add3A_113 = arith.addi %mul3A_56, %add3A_112 : i32
    %add3A_114 = vector.broadcast %add3A_113 : i32 to vector<16xi32>
    %add3A_115 = arith.addi %add3A_114, %iota3A : vector<16xi32>
    %shift_left3A_116 = arith.constant 6 : i32
    %shift_left3A_117 = vector.broadcast %shift_left3A_116 : i32 to vector<16xi32>
    %shift_left3A_118 = arith.shli %add3A_115, %shift_left3A_117 : vector<16xi32>
    %swap3A_119 = arith.constant 79 : i32
    %swap3A_120 = arith.index_cast %swap3A_119 : i32 to index
    %swap3A_121 = arith.constant 48 : index
    %swap3A_122 = tpu.vector_load %arg9[%swap3A_120, %swap3A_121] {strides = array<i32>} : memref<80x128xi32, #tpu.memory_space<vmem>>, vector<16xi32>,
    tpu.vector_store %arg9[%swap3A_120, %swap3A_121], %shift_left3A_118 {strides = array<i32>} : memref<80x128xi32, #tpu.memory_space<vmem>>, vector<16xi32>,
    %add3A_123 = arith.constant 64 : i32
    %add3A_124 = arith.addi %mul3A_56, %add3A_123 : i32
    %add3A_125 = vector.broadcast %add3A_124 : i32 to vector<16xi32>
    %add3A_126 = arith.addi %add3A_125, %iota3A : vector<16xi32>
    %shift_left3A_127 = arith.constant 6 : i32
    %shift_left3A_128 = vector.broadcast %shift_left3A_127 : i32 to vector<16xi32>
    %shift_left3A_129 = arith.shli %add3A_126, %shift_left3A_128 : vector<16xi32>
    %swap3A_130 = arith.constant 78 : i32
    %swap3A_131 = arith.index_cast %swap3A_130 : i32 to index
    %swap3A_132 = arith.constant 64 : index
    %swap3A_133 = tpu.vector_load %arg9[%swap3A_131, %swap3A_132] {strides = array<i32>} : memref<80x128xi32, #tpu.memory_space<vmem>>, vector<16xi32>,
    tpu.vector_store %arg9[%swap3A_131, %swap3A_132], %shift_left3A_129 {strides = array<i32>} : memref<80x128xi32, #tpu.memory_space<vmem>>, vector<16xi32>,
    %add3A_134 = arith.constant 192 : i32
    %add3A_135 = arith.addi %mul3A_56, %add3A_134 : i32
    %add3A_136 = vector.broadcast %add3A_135 : i32 to vector<16xi32>
    %add3A_137 = arith.addi %add3A_136, %iota3A : vector<16xi32>
    %shift_left3A_138 = arith.constant 6 : i32
    %shift_left3A_139 = vector.broadcast %shift_left3A_138 : i32 to vector<16xi32>
    %shift_left3A_140 = arith.shli %add3A_137, %shift_left3A_139 : vector<16xi32>
    %swap3A_141 = arith.constant 79 : i32
    %swap3A_142 = arith.index_cast %swap3A_141 : i32 to index
    %swap3A_143 = arith.constant 64 : index
    %swap3A_144 = tpu.vector_load %arg9[%swap3A_142, %swap3A_143] {strides = array<i32>} : memref<80x128xi32, #tpu.memory_space<vmem>>, vector<16xi32>,
    tpu.vector_store %arg9[%swap3A_142, %swap3A_143], %shift_left3A_140 {strides = array<i32>} : memref<80x128xi32, #tpu.memory_space<vmem>>, vector<16xi32>,
    %add3A_145 = arith.constant 80 : i32
    %add3A_146 = arith.addi %mul3A_56, %add3A_145 : i32
    %add3A_147 = vector.broadcast %add3A_146 : i32 to vector<16xi32>
    %add3A_148 = arith.addi %add3A_147, %iota3A : vector<16xi32>
    %shift_left3A_149 = arith.constant 6 : i32
    %shift_left3A_150 = vector.broadcast %shift_left3A_149 : i32 to vector<16xi32>
    %shift_left3A_151 = arith.shli %add3A_148, %shift_left3A_150 : vector<16xi32>
    %swap3A_152 = arith.constant 78 : i32
    %swap3A_153 = arith.index_cast %swap3A_152 : i32 to index
    %swap3A_154 = arith.constant 80 : index
    %swap3A_155 = tpu.vector_load %arg9[%swap3A_153, %swap3A_154] {strides = array<i32>} : memref<80x128xi32, #tpu.memory_space<vmem>>, vector<16xi32>,
    tpu.vector_store %arg9[%swap3A_153, %swap3A_154], %shift_left3A_151 {strides = array<i32>} : memref<80x128xi32, #tpu.memory_space<vmem>>, vector<16xi32>,
    %add3A_156 = arith.constant 208 : i32
    %add3A_157 = arith.addi %mul3A_56, %add3A_156 : i32
    %add3A_158 = vector.broadcast %add3A_157 : i32 to vector<16xi32>
    %add3A_159 = arith.addi %add3A_158, %iota3A : vector<16xi32>
    %shift_left3A_160 = arith.constant 6 : i32
    %shift_left3A_161 = vector.broadcast %shift_left3A_160 : i32 to vector<16xi32>
    %shift_left3A_162 = arith.shli %add3A_159, %shift_left3A_161 : vector<16xi32>
    %swap3A_163 = arith.constant 79 : i32
    %swap3A_164 = arith.index_cast %swap3A_163 : i32 to index
    %swap3A_165 = arith.constant 80 : index
    %swap3A_166 = tpu.vector_load %arg9[%swap3A_164, %swap3A_165] {strides = array<i32>} : memref<80x128xi32, #tpu.memory_space<vmem>>, vector<16xi32>,
    tpu.vector_store %arg9[%swap3A_164, %swap3A_165], %shift_left3A_162 {strides = array<i32>} : memref<80x128xi32, #tpu.memory_space<vmem>>, vector<16xi32>,
    %add3A_167 = arith.constant 96 : i32
    %add3A_168 = arith.addi %mul3A_56, %add3A_167 : i32
    %add3A_169 = vector.broadcast %add3A_168 : i32 to vector<16xi32>
    %add3A_170 = arith.addi %add3A_169, %iota3A : vector<16xi32>
    %shift_left3A_171 = arith.constant 6 : i32
    %shift_left3A_172 = vector.broadcast %shift_left3A_171 : i32 to vector<16xi32>
    %shift_left3A_173 = arith.shli %add3A_170, %shift_left3A_172 : vector<16xi32>
    %swap3A_174 = arith.constant 78 : i32
    %swap3A_175 = arith.index_cast %swap3A_174 : i32 to index
    %swap3A_176 = arith.constant 96 : index
    %swap3A_177 = tpu.vector_load %arg9[%swap3A_175, %swap3A_176] {strides = array<i32>} : memref<80x128xi32, #tpu.memory_space<vmem>>, vector<16xi32>,
    tpu.vector_store %arg9[%swap3A_175, %swap3A_176], %shift_left3A_173 {strides = array<i32>} : memref<80x128xi32, #tpu.memory_space<vmem>>, vector<16xi32>,
    %add3A_178 = arith.constant 224 : i32
    %add3A_179 = arith.addi %mul3A_56, %add3A_178 : i32
    %add3A_180 = vector.broadcast %add3A_179 : i32 to vector<16xi32>
    %add3A_181 = arith.addi %add3A_180, %iota3A : vector<16xi32>
    %shift_left3A_182 = arith.constant 6 : i32
    %shift_left3A_183 = vector.broadcast %shift_left3A_182 : i32 to vector<16xi32>
    %shift_left3A_184 = arith.shli %add3A_181, %shift_left3A_183 : vector<16xi32>
    %swap3A_185 = arith.constant 79 : i32
    %swap3A_186 = arith.index_cast %swap3A_185 : i32 to index
    %swap3A_187 = arith.constant 96 : index
    %swap3A_188 = tpu.vector_load %arg9[%swap3A_186, %swap3A_187] {strides = array<i32>} : memref<80x128xi32, #tpu.memory_space<vmem>>, vector<16xi32>,
    tpu.vector_store %arg9[%swap3A_186, %swap3A_187], %shift_left3A_184 {strides = array<i32>} : memref<80x128xi32, #tpu.memory_space<vmem>>, vector<16xi32>,
    %add3A_189 = arith.constant 112 : i32
    %add3A_190 = arith.addi %mul3A_56, %add3A_189 : i32
    %add3A_191 = vector.broadcast %add3A_190 : i32 to vector<16xi32>
    %add3A_192 = arith.addi %add3A_191, %iota3A : vector<16xi32>
    %shift_left3A_193 = arith.constant 6 : i32
    %shift_left3A_194 = vector.broadcast %shift_left3A_193 : i32 to vector<16xi32>
    %shift_left3A_195 = arith.shli %add3A_192, %shift_left3A_194 : vector<16xi32>
    %swap3A_196 = arith.constant 78 : i32
    %swap3A_197 = arith.index_cast %swap3A_196 : i32 to index
    %swap3A_198 = arith.constant 112 : index
    %swap3A_199 = tpu.vector_load %arg9[%swap3A_197, %swap3A_198] {strides = array<i32>} : memref<80x128xi32, #tpu.memory_space<vmem>>, vector<16xi32>,
    tpu.vector_store %arg9[%swap3A_197, %swap3A_198], %shift_left3A_195 {strides = array<i32>} : memref<80x128xi32, #tpu.memory_space<vmem>>, vector<16xi32>,
    %add3A_200 = arith.constant 240 : i32
    %add3A_201 = arith.addi %mul3A_56, %add3A_200 : i32
    %add3A_202 = vector.broadcast %add3A_201 : i32 to vector<16xi32>
    %add3A_203 = arith.addi %add3A_202, %iota3A : vector<16xi32>
    %shift_left3A_204 = arith.constant 6 : i32
    %shift_left3A_205 = vector.broadcast %shift_left3A_204 : i32 to vector<16xi32>
    %shift_left3A_206 = arith.shli %add3A_203, %shift_left3A_205 : vector<16xi32>
    %swap3A_207 = arith.constant 79 : i32
    %swap3A_208 = arith.index_cast %swap3A_207 : i32 to index
    %swap3A_209 = arith.constant 112 : index
    %swap3A_210 = tpu.vector_load %arg9[%swap3A_208, %swap3A_209] {strides = array<i32>} : memref<80x128xi32, #tpu.memory_space<vmem>>, vector<16xi32>,
    tpu.vector_store %arg9[%swap3A_208, %swap3A_209], %shift_left3A_206 {strides = array<i32>} : memref<80x128xi32, #tpu.memory_space<vmem>>, vector<16xi32>,
    %add3A_211 = arith.constant 128 : i32
    %add3A_212 = arith.addi %mul3A_56, %add3A_211 : i32
    %add3A_213 = vector.broadcast %add3A_212 : i32 to vector<16xi32>
    %add3A_214 = arith.addi %add3A_213, %iota3A : vector<16xi32>
    %shift_left3A_215 = arith.constant 6 : i32
    %shift_left3A_216 = vector.broadcast %shift_left3A_215 : i32 to vector<16xi32>
    %shift_left3A_217 = arith.shli %add3A_214, %shift_left3A_216 : vector<16xi32>
    %swap3A_218 = arith.constant 79 : i32
    %swap3A_219 = arith.index_cast %swap3A_218 : i32 to index
    %swap3A_220 = arith.constant 0 : index
    %swap3A_221 = tpu.vector_load %arg9[%swap3A_219, %swap3A_220] {strides = array<i32>} : memref<80x128xi32, #tpu.memory_space<vmem>>, vector<16xi32>,
    tpu.vector_store %arg9[%swap3A_219, %swap3A_220], %shift_left3A_217 {strides = array<i32>} : memref<80x128xi32, #tpu.memory_space<vmem>>, vector<16xi32>,
    %dma_start3A_222 = arith.constant 78 : i32
    %dma_start3A_223 = arith.constant 78 : i32
    %dma_start3A_224 = arith.constant 0 : i32
    %dma_start3A_225 = tpu.memref_slice %arg10[%dma_start3A_223, %dma_start3A_224] : memref<80x128xf32, #tpu.memory_space<vmem>> -> memref<1x128xf32, #tpu.memory_space<vmem>>
    %dma_start3A_226 = tpu.memref_squeeze %dma_start3A_225 : memref<1x128xf32, #tpu.memory_space<vmem>> -> memref<128xf32, #tpu.memory_space<vmem>>
    %dma_start3A_227 = arith.constant 0 : i32
    %dma_start3A_228 = tpu.memref_slice %arg9[%dma_start3A_222, %dma_start3A_227] : memref<80x128xi32, #tpu.memory_space<vmem>> -> memref<1x128xi32, #tpu.memory_space<vmem>>
    %dma_start3A_229 = tpu.memref_squeeze %dma_start3A_228 : memref<1x128xi32, #tpu.memory_space<vmem>> -> memref<128xi32, #tpu.memory_space<vmem>>
    %dma_start3A_230 = arith.constant 0 : i32
    %dma_start3A_231 = tpu.memref_slice %arg2[%dma_start3A_230] : memref<5242880xf32, #tpu.memory_space<hbm>> -> memref<5242880xf32, #tpu.memory_space<hbm>>
    tpu.enqueue_indirect_dma source(%dma_start3A_231 : memref<5242880xf32, #tpu.memory_space<hbm>>) target(%dma_start3A_226 : memref<128xf32, #tpu.memory_space<vmem>>) offsets(%dma_start3A_229 : memref<128xi32, #tpu.memory_space<vmem>>) semaphore(%arg14 : memref<!tpu.dma_semaphore, #tpu.memory_space<semaphore_mem>>)
    %dma_start3A_232 = arith.constant 79 : i32
    %dma_start3A_233 = arith.constant 79 : i32
    %dma_start3A_234 = arith.constant 0 : i32
    %dma_start3A_235 = tpu.memref_slice %arg10[%dma_start3A_233, %dma_start3A_234] : memref<80x128xf32, #tpu.memory_space<vmem>> -> memref<1x128xf32, #tpu.memory_space<vmem>>
    %dma_start3A_236 = tpu.memref_squeeze %dma_start3A_235 : memref<1x128xf32, #tpu.memory_space<vmem>> -> memref<128xf32, #tpu.memory_space<vmem>>
    %dma_start3A_237 = arith.constant 0 : i32
    %dma_start3A_238 = tpu.memref_slice %arg9[%dma_start3A_232, %dma_start3A_237] : memref<80x128xi32, #tpu.memory_space<vmem>> -> memref<1x128xi32, #tpu.memory_space<vmem>>
    %dma_start3A_239 = tpu.memref_squeeze %dma_start3A_238 : memref<1x128xi32, #tpu.memory_space<vmem>> -> memref<128xi32, #tpu.memory_space<vmem>>
    %dma_start3A_240 = arith.constant 0 : i32
    %dma_start3A_241 = tpu.memref_slice %arg2[%dma_start3A_240] : memref<5242880xf32, #tpu.memory_space<hbm>> -> memref<5242880xf32, #tpu.memory_space<hbm>>
    tpu.enqueue_indirect_dma source(%dma_start3A_241 : memref<5242880xf32, #tpu.memory_space<hbm>>) target(%dma_start3A_236 : memref<128xf32, #tpu.memory_space<vmem>>) offsets(%dma_start3A_239 : memref<128xi32, #tpu.memory_space<vmem>>) semaphore(%arg14 : memref<!tpu.dma_semaphore, #tpu.memory_space<semaphore_mem>>)
    %scan3A_242 = arith.constant 0 : i32
    %scan3A_243 = arith.constant 0 : i32
    %scan3A_244 = arith.constant 80 : i32
    %scan3A_245 = arith.addi %scan3A_243, %scan3A_244 : i32
    %scan3A_246 = arith.constant 1 : i32
    %scan3A_247 = scf.for %scan3A_311 = %scan3A_243 to %scan3A_245 step %scan3A_246 iter_args(%scan3A_312 = %scan3A_242) -> (i32)  : i32 {
      %dma_wait3A_313 = arith.constant 0 : i32
      %dma_wait3A_314 = tpu.memref_slice %arg10[%scan3A_311, %dma_wait3A_313] : memref<80x128xf32, #tpu.memory_space<vmem>> -> memref<1x128xf32, #tpu.memory_space<vmem>>
      %dma_wait3A_315 = tpu.memref_squeeze %dma_wait3A_314 : memref<1x128xf32, #tpu.memory_space<vmem>> -> memref<128xf32, #tpu.memory_space<vmem>>
      %dma_wait3A_316 = arith.constant 0 : i32
      %dma_wait3A_317 = tpu.memref_slice %arg9[%scan3A_311, %dma_wait3A_316] : memref<80x128xi32, #tpu.memory_space<vmem>> -> memref<1x128xi32, #tpu.memory_space<vmem>>
      %dma_wait3A_318 = tpu.memref_squeeze %dma_wait3A_317 : memref<1x128xi32, #tpu.memory_space<vmem>> -> memref<128xi32, #tpu.memory_space<vmem>>
      %dma_wait3A_319 = arith.constant 0 : i32
      %dma_wait3A_320 = tpu.memref_slice %arg2[%dma_wait3A_319] : memref<5242880xf32, #tpu.memory_space<hbm>> -> memref<5242880xf32, #tpu.memory_space<hbm>>
      tpu.wait_indirect_dma semaphore(%arg14 : memref<!tpu.dma_semaphore, #tpu.memory_space<semaphore_mem>>) src(%dma_wait3A_320 : memref<5242880xf32, #tpu.memory_space<hbm>>) dst(%dma_wait3A_315 : memref<128xf32, #tpu.memory_space<vmem>>)
      %scan3A_321 = arith.constant 0 : i32
      scf.yield %scan3A_321 : i32
    }
    %scan3A_248 = arith.constant 80 : i32
    %broadcast_in_dim3A_249 = arith.constant 0xFF800000 : f32
    %broadcast_in_dim3A_250 = vector.broadcast %broadcast_in_dim3A_249 : f32 to vector<16xf32>
    %scan3A_251 = arith.constant 0 : i32
    %scan3A_252 = arith.constant 78 : i32
    %scan3A_253 = arith.addi %scan3A_251, %scan3A_252 : i32
    %scan3A_254 = arith.constant 1 : i32
    %scan3A_255 = scf.for %scan3A_311 = %scan3A_251 to %scan3A_253 step %scan3A_254 iter_args(%scan3A_312 = %broadcast_in_dim3A_250) -> (vector<16xf32>)  : i32 {
      %get3A_313 = arith.index_cast %scan3A_311 : i32 to index
      %get3A_314 = arith.constant 0 : index
      %get3A_315 = tpu.vector_load %arg10[%get3A_313, %get3A_314] {strides = array<i32>} : memref<80x128xf32, #tpu.memory_space<vmem>>, vector<16xf32>,
      %max3A_316 = arith.maximumf %scan3A_312, %get3A_315 : vector<16xf32>
      %get3A_317 = arith.index_cast %scan3A_311 : i32 to index
      %get3A_318 = arith.constant 16 : index
      %get3A_319 = tpu.vector_load %arg10[%get3A_317, %get3A_318] {strides = array<i32>} : memref<80x128xf32, #tpu.memory_space<vmem>>, vector<16xf32>,
      %max3A_320 = arith.maximumf %max3A_316, %get3A_319 : vector<16xf32>
      %get3A_321 = arith.index_cast %scan3A_311 : i32 to index
      %get3A_322 = arith.constant 32 : index
      %get3A_323 = tpu.vector_load %arg10[%get3A_321, %get3A_322] {strides = array<i32>} : memref<80x128xf32, #tpu.memory_space<vmem>>, vector<16xf32>,
      %max3A_324 = arith.maximumf %max3A_320, %get3A_323 : vector<16xf32>
      %get3A_325 = arith.index_cast %scan3A_311 : i32 to index
      %get3A_326 = arith.constant 48 : index
      %get3A_327 = tpu.vector_load %arg10[%get3A_325, %get3A_326] {strides = array<i32>} : memref<80x128xf32, #tpu.memory_space<vmem>>, vector<16xf32>,
      %max3A_328 = arith.maximumf %max3A_324, %get3A_327 : vector<16xf32>
      %get3A_329 = arith.index_cast %scan3A_311 : i32 to index
      %get3A_330 = arith.constant 64 : index
      %get3A_331 = tpu.vector_load %arg10[%get3A_329, %get3A_330] {strides = array<i32>} : memref<80x128xf32, #tpu.memory_space<vmem>>, vector<16xf32>,
      %max3A_332 = arith.maximumf %max3A_328, %get3A_331 : vector<16xf32>
      %get3A_333 = arith.index_cast %scan3A_311 : i32 to index
      %get3A_334 = arith.constant 80 : index
      %get3A_335 = tpu.vector_load %arg10[%get3A_333, %get3A_334] {strides = array<i32>} : memref<80x128xf32, #tpu.memory_space<vmem>>, vector<16xf32>,
      %max3A_336 = arith.maximumf %max3A_332, %get3A_335 : vector<16xf32>
      %get3A_337 = arith.index_cast %scan3A_311 : i32 to index
      %get3A_338 = arith.constant 96 : index
      %get3A_339 = tpu.vector_load %arg10[%get3A_337, %get3A_338] {strides = array<i32>} : memref<80x128xf32, #tpu.memory_space<vmem>>, vector<16xf32>,
      %max3A_340 = arith.maximumf %max3A_336, %get3A_339 : vector<16xf32>
      %get3A_341 = arith.index_cast %scan3A_311 : i32 to index
      %get3A_342 = arith.constant 112 : index
      %get3A_343 = tpu.vector_load %arg10[%get3A_341, %get3A_342] {strides = array<i32>} : memref<80x128xf32, #tpu.memory_space<vmem>>, vector<16xf32>,
      %max3A_344 = arith.maximumf %max3A_340, %get3A_343 : vector<16xf32>
      scf.yield %max3A_344 : vector<16xf32>
    }
    %scan3A_256 = arith.constant 78 : i32
    %get3A_257 = arith.constant 78 : i32
    %get3A_258 = arith.index_cast %get3A_257 : i32 to index
    %get3A_259 = arith.constant 0 : index
    %get3A_260 = tpu.vector_load %arg10[%get3A_258, %get3A_259] {strides = array<i32>} : memref<80x128xf32, #tpu.memory_space<vmem>>, vector<16xf32>,
    %max3A = arith.maximumf %scan3A_255, %get3A_260 : vector<16xf32>
    %iota3A_261 = tpu.iota {dimensions = array<i32: 0>} : vector<16xi32>
    %swap3A_262 = arith.constant 0 : index
    %swap3A_263 = tpu.vector_load %arg13[%swap3A_262] {strides = array<i32>} : memref<16xf32, #tpu.memory_space<vmem>>, vector<16xf32>,
    tpu.vector_store %arg13[%swap3A_262], %max3A {strides = array<i32>} : memref<16xf32, #tpu.memory_space<vmem>>, vector<16xf32>,
    %xor3A = arith.constant 8 : i32
    %xor3A_264 = vector.broadcast %xor3A : i32 to vector<16xi32>
    %xor3A_265 = arith.xori %iota3A_261, %xor3A_264 : vector<16xi32>
    %gather3A = tpu.vector_load_idx %arg13[%xor3A_265] : memref<16xf32, #tpu.memory_space<vmem>>[vector<16xi32>], vector<16xf32>,
    %max3A_266 = arith.maximumf %max3A, %gather3A : vector<16xf32>
    %swap3A_267 = arith.constant 0 : index
    %swap3A_268 = tpu.vector_load %arg13[%swap3A_267] {strides = array<i32>} : memref<16xf32, #tpu.memory_space<vmem>>, vector<16xf32>,
    tpu.vector_store %arg13[%swap3A_267], %max3A_266 {strides = array<i32>} : memref<16xf32, #tpu.memory_space<vmem>>, vector<16xf32>,
    %xor3A_269 = arith.constant 4 : i32
    %xor3A_270 = vector.broadcast %xor3A_269 : i32 to vector<16xi32>
    %xor3A_271 = arith.xori %iota3A_261, %xor3A_270 : vector<16xi32>
    %gather3A_272 = tpu.vector_load_idx %arg13[%xor3A_271] : memref<16xf32, #tpu.memory_space<vmem>>[vector<16xi32>], vector<16xf32>,
    %max3A_273 = arith.maximumf %max3A_266, %gather3A_272 : vector<16xf32>
    %swap3A_274 = arith.constant 0 : index
    %swap3A_275 = tpu.vector_load %arg13[%swap3A_274] {strides = array<i32>} : memref<16xf32, #tpu.memory_space<vmem>>, vector<16xf32>,
    tpu.vector_store %arg13[%swap3A_274], %max3A_273 {strides = array<i32>} : memref<16xf32, #tpu.memory_space<vmem>>, vector<16xf32>,
    %xor3A_276 = arith.constant 2 : i32
    %xor3A_277 = vector.broadcast %xor3A_276 : i32 to vector<16xi32>
    %xor3A_278 = arith.xori %iota3A_261, %xor3A_277 : vector<16xi32>
    %gather3A_279 = tpu.vector_load_idx %arg13[%xor3A_278] : memref<16xf32, #tpu.memory_space<vmem>>[vector<16xi32>], vector<16xf32>,
    %max3A_280 = arith.maximumf %max3A_273, %gather3A_279 : vector<16xf32>
    %swap3A_281 = arith.constant 0 : index
    %swap3A_282 = tpu.vector_load %arg13[%swap3A_281] {strides = array<i32>} : memref<16xf32, #tpu.memory_space<vmem>>, vector<16xf32>,
    tpu.vector_store %arg13[%swap3A_281], %max3A_280 {strides = array<i32>} : memref<16xf32, #tpu.memory_space<vmem>>, vector<16xf32>,
    %xor3A_283 = arith.constant 1 : i32
    %xor3A_284 = vector.broadcast %xor3A_283 : i32 to vector<16xi32>
    %xor3A_285 = arith.xori %iota3A_261, %xor3A_284 : vector<16xi32>
    %gather3A_286 = tpu.vector_load_idx %arg13[%xor3A_285] : memref<16xf32, #tpu.memory_space<vmem>>[vector<16xi32>], vector<16xf32>,
    %max3A_287 = arith.maximumf %max3A_280, %gather3A_286 : vector<16xf32>
    %scan3A_288 = arith.constant 0 : i32
    %scan3A_289 = arith.constant 0 : i32
    %scan3A_290 = arith.constant 78 : i32
    %scan3A_291 = arith.addi %scan3A_289, %scan3A_290 : i32
    %scan3A_292 = arith.constant 1 : i32
    %scan3A_293 = scf.for %scan3A_311 = %scan3A_289 to %scan3A_291 step %scan3A_292 iter_args(%scan3A_312 = %scan3A_288) -> (i32)  : i32 {
      %get3A_313 = arith.index_cast %scan3A_311 : i32 to index
      %get3A_314 = arith.constant 0 : index
      %get3A_315 = tpu.vector_load %arg10[%get3A_313, %get3A_314] {strides = array<i32>} : memref<80x128xf32, #tpu.memory_space<vmem>>, vector<16xf32>,
      %mul3A_316 = arith.constant 128 : i32
      %mul3A_317 = arith.muli %scan3A_311, %mul3A_316 : i32
      %add3A_318 = arith.constant 0 : i32
      %add3A_319 = arith.addi %mul3A_317, %add3A_318 : i32
      %get3A_320 = arith.index_cast %add3A_319 : i32 to index
      %get3A_321 = tpu.vector_load %arg8[%get3A_320] {strides = array<i32>} : memref<10000xi32, #tpu.memory_space<vmem>>, vector<16xi32>,
      %sub3A_322 = arith.subf %get3A_315, %max3A_287 : vector<16xf32>
      %exp3A_323 = math.exp %sub3A_322 : vector<16xf32>
      tpu.vector_store_idx %arg11[%iota3A_261, %get3A_321], %exp3A_323 {add = true} : memref<16x512xf32, #tpu.memory_space<vmem>>[vector<16xi32>, vector<16xi32>], vector<16xf32>,
      %get3A_324 = arith.index_cast %scan3A_311 : i32 to index
      %get3A_325 = arith.constant 16 : index
      %get3A_326 = tpu.vector_load %arg10[%get3A_324, %get3A_325] {strides = array<i32>} : memref<80x128xf32, #tpu.memory_space<vmem>>, vector<16xf32>,
      %mul3A_327 = arith.constant 128 : i32
      %mul3A_328 = arith.muli %scan3A_311, %mul3A_327 : i32
      %add3A_329 = arith.constant 16 : i32
      %add3A_330 = arith.addi %mul3A_328, %add3A_329 : i32
      %get3A_331 = arith.index_cast %add3A_330 : i32 to index
      %get3A_332 = tpu.vector_load %arg8[%get3A_331] {strides = array<i32>} : memref<10000xi32, #tpu.memory_space<vmem>>, vector<16xi32>,
      %sub3A_333 = arith.subf %get3A_326, %max3A_287 : vector<16xf32>
      %exp3A_334 = math.exp %sub3A_333 : vector<16xf32>
      tpu.vector_store_idx %arg11[%iota3A_261, %get3A_332], %exp3A_334 {add = true} : memref<16x512xf32, #tpu.memory_space<vmem>>[vector<16xi32>, vector<16xi32>], vector<16xf32>,
      %get3A_335 = arith.index_cast %scan3A_311 : i32 to index
      %get3A_336 = arith.constant 32 : index
      %get3A_337 = tpu.vector_load %arg10[%get3A_335, %get3A_336] {strides = array<i32>} : memref<80x128xf32, #tpu.memory_space<vmem>>, vector<16xf32>,
      %mul3A_338 = arith.constant 128 : i32
      %mul3A_339 = arith.muli %scan3A_311, %mul3A_338 : i32
      %add3A_340 = arith.constant 32 : i32
      %add3A_341 = arith.addi %mul3A_339, %add3A_340 : i32
      %get3A_342 = arith.index_cast %add3A_341 : i32 to index
      %get3A_343 = tpu.vector_load %arg8[%get3A_342] {strides = array<i32>} : memref<10000xi32, #tpu.memory_space<vmem>>, vector<16xi32>,
      %sub3A_344 = arith.subf %get3A_337, %max3A_287 : vector<16xf32>
      %exp3A_345 = math.exp %sub3A_344 : vector<16xf32>
      tpu.vector_store_idx %arg11[%iota3A_261, %get3A_343], %exp3A_345 {add = true} : memref<16x512xf32, #tpu.memory_space<vmem>>[vector<16xi32>, vector<16xi32>], vector<16xf32>,
      %get3A_346 = arith.index_cast %scan3A_311 : i32 to index
      %get3A_347 = arith.constant 48 : index
      %get3A_348 = tpu.vector_load %arg10[%get3A_346, %get3A_347] {strides = array<i32>} : memref<80x128xf32, #tpu.memory_space<vmem>>, vector<16xf32>,
      %mul3A_349 = arith.constant 128 : i32
      %mul3A_350 = arith.muli %scan3A_311, %mul3A_349 : i32
      %add3A_351 = arith.constant 48 : i32
      %add3A_352 = arith.addi %mul3A_350, %add3A_351 : i32
      %get3A_353 = arith.index_cast %add3A_352 : i32 to index
      %get3A_354 = tpu.vector_load %arg8[%get3A_353] {strides = array<i32>} : memref<10000xi32, #tpu.memory_space<vmem>>, vector<16xi32>,
      %sub3A_355 = arith.subf %get3A_348, %max3A_287 : vector<16xf32>
      %exp3A_356 = math.exp %sub3A_355 : vector<16xf32>
      tpu.vector_store_idx %arg11[%iota3A_261, %get3A_354], %exp3A_356 {add = true} : memref<16x512xf32, #tpu.memory_space<vmem>>[vector<16xi32>, vector<16xi32>], vector<16xf32>,
      %get3A_357 = arith.index_cast %scan3A_311 : i32 to index
      %get3A_358 = arith.constant 64 : index
      %get3A_359 = tpu.vector_load %arg10[%get3A_357, %get3A_358] {strides = array<i32>} : memref<80x128xf32, #tpu.memory_space<vmem>>, vector<16xf32>,
      %mul3A_360 = arith.constant 128 : i32
      %mul3A_361 = arith.muli %scan3A_311, %mul3A_360 : i32
      %add3A_362 = arith.constant 64 : i32
      %add3A_363 = arith.addi %mul3A_361, %add3A_362 : i32
      %get3A_364 = arith.index_cast %add3A_363 : i32 to index
      %get3A_365 = tpu.vector_load %arg8[%get3A_364] {strides = array<i32>} : memref<10000xi32, #tpu.memory_space<vmem>>, vector<16xi32>,
      %sub3A_366 = arith.subf %get3A_359, %max3A_287 : vector<16xf32>
      %exp3A_367 = math.exp %sub3A_366 : vector<16xf32>
      tpu.vector_store_idx %arg11[%iota3A_261, %get3A_365], %exp3A_367 {add = true} : memref<16x512xf32, #tpu.memory_space<vmem>>[vector<16xi32>, vector<16xi32>], vector<16xf32>,
      %get3A_368 = arith.index_cast %scan3A_311 : i32 to index
      %get3A_369 = arith.constant 80 : index
      %get3A_370 = tpu.vector_load %arg10[%get3A_368, %get3A_369] {strides = array<i32>} : memref<80x128xf32, #tpu.memory_space<vmem>>, vector<16xf32>,
      %mul3A_371 = arith.constant 128 : i32
      %mul3A_372 = arith.muli %scan3A_311, %mul3A_371 : i32
      %add3A_373 = arith.constant 80 : i32
      %add3A_374 = arith.addi %mul3A_372, %add3A_373 : i32
      %get3A_375 = arith.index_cast %add3A_374 : i32 to index
      %get3A_376 = tpu.vector_load %arg8[%get3A_375] {strides = array<i32>} : memref<10000xi32, #tpu.memory_space<vmem>>, vector<16xi32>,
      %sub3A_377 = arith.subf %get3A_370, %max3A_287 : vector<16xf32>
      %exp3A_378 = math.exp %sub3A_377 : vector<16xf32>
      tpu.vector_store_idx %arg11[%iota3A_261, %get3A_376], %exp3A_378 {add = true} : memref<16x512xf32, #tpu.memory_space<vmem>>[vector<16xi32>, vector<16xi32>], vector<16xf32>,
      %get3A_379 = arith.index_cast %scan3A_311 : i32 to index
      %get3A_380 = arith.constant 96 : index
      %get3A_381 = tpu.vector_load %arg10[%get3A_379, %get3A_380] {strides = array<i32>} : memref<80x128xf32, #tpu.memory_space<vmem>>, vector<16xf32>,
      %mul3A_382 = arith.constant 128 : i32
      %mul3A_383 = arith.muli %scan3A_311, %mul3A_382 : i32
      %add3A_384 = arith.constant 96 : i32
      %add3A_385 = arith.addi %mul3A_383, %add3A_384 : i32
      %get3A_386 = arith.index_cast %add3A_385 : i32 to index
      %get3A_387 = tpu.vector_load %arg8[%get3A_386] {strides = array<i32>} : memref<10000xi32, #tpu.memory_space<vmem>>, vector<16xi32>,
      %sub3A_388 = arith.subf %get3A_381, %max3A_287 : vector<16xf32>
      %exp3A_389 = math.exp %sub3A_388 : vector<16xf32>
      tpu.vector_store_idx %arg11[%iota3A_261, %get3A_387], %exp3A_389 {add = true} : memref<16x512xf32, #tpu.memory_space<vmem>>[vector<16xi32>, vector<16xi32>], vector<16xf32>,
      %get3A_390 = arith.index_cast %scan3A_311 : i32 to index
      %get3A_391 = arith.constant 112 : index
      %get3A_392 = tpu.vector_load %arg10[%get3A_390, %get3A_391] {strides = array<i32>} : memref<80x128xf32, #tpu.memory_space<vmem>>, vector<16xf32>,
      %mul3A_393 = arith.constant 128 : i32
      %mul3A_394 = arith.muli %scan3A_311, %mul3A_393 : i32
      %add3A_395 = arith.constant 112 : i32
      %add3A_396 = arith.addi %mul3A_394, %add3A_395 : i32
      %get3A_397 = arith.index_cast %add3A_396 : i32 to index
      %get3A_398 = tpu.vector_load %arg8[%get3A_397] {strides = array<i32>} : memref<10000xi32, #tpu.memory_space<vmem>>, vector<16xi32>,
      %sub3A_399 = arith.subf %get3A_392, %max3A_287 : vector<16xf32>
      %exp3A_400 = math.exp %sub3A_399 : vector<16xf32>
      tpu.vector_store_idx %arg11[%iota3A_261, %get3A_398], %exp3A_400 {add = true} : memref<16x512xf32, #tpu.memory_space<vmem>>[vector<16xi32>, vector<16xi32>], vector<16xf32>,
      %scan3A_401 = arith.constant 0 : i32
      scf.yield %scan3A_401 : i32
    }
    %scan3A_294 = arith.constant 78 : i32
    %get3A_295 = arith.constant 78 : i32
    %get3A_296 = arith.index_cast %get3A_295 : i32 to index
    %get3A_297 = arith.constant 0 : index
    %get3A_298 = tpu.vector_load %arg10[%get3A_296, %get3A_297] {strides = array<i32>} : memref<80x128xf32, #tpu.memory_space<vmem>>, vector<16xf32>,
    %get3A_299 = arith.constant 9984 : index
    %get3A_300 = tpu.vector_load %arg8[%get3A_299] {strides = array<i32>} : memref<10000xi32, #tpu.memory_space<vmem>>, vector<16xi32>,
    %sub3A_301 = arith.subf %get3A_298, %max3A_287 : vector<16xf32>
    %exp3A = math.exp %sub3A_301 : vector<16xf32>
    tpu.vector_store_idx %arg11[%iota3A_261, %get3A_300], %exp3A {add = true} : memref<16x512xf32, #tpu.memory_space<vmem>>[vector<16xi32>, vector<16xi32>], vector<16xf32>,
    %scan3A_302 = arith.constant 0 : i32
    %scan3A_303 = arith.constant 0 : i32
    %scan3A_304 = arith.constant 32 : i32
    %scan3A_305 = arith.addi %scan3A_303, %scan3A_304 : i32
    %scan3A_306 = arith.constant 1 : i32
    %scan3A_307 = scf.for %scan3A_311 = %scan3A_303 to %scan3A_305 step %scan3A_306 iter_args(%scan3A_312 = %scan3A_302) -> (i32)  : i32 {
      %mul3A_313 = arith.constant 16 : i32
      %mul3A_314 = arith.muli %scan3A_311, %mul3A_313 : i32
      %get3A_315 = arith.constant 0 : i32
      %get3A_316 = arith.index_cast %get3A_315 : i32 to index
      %get3A_317 = arith.index_cast %mul3A_314 : i32 to index
      %get3A_318 = tpu.vector_load %arg11[%get3A_316, %get3A_317] {strides = array<i32>} : memref<16x512xf32, #tpu.memory_space<vmem>>, vector<16xf32>,
      %mul3A_319 = arith.constant 16 : i32
      %mul3A_320 = arith.muli %scan3A_311, %mul3A_319 : i32
      %get3A_321 = arith.constant 1 : i32
      %get3A_322 = arith.index_cast %get3A_321 : i32 to index
      %get3A_323 = arith.index_cast %mul3A_320 : i32 to index
      %get3A_324 = tpu.vector_load %arg11[%get3A_322, %get3A_323] {strides = array<i32>} : memref<16x512xf32, #tpu.memory_space<vmem>>, vector<16xf32>,
      %add3A_325 = arith.addf %get3A_318, %get3A_324 : vector<16xf32>
      %mul3A_326 = arith.constant 16 : i32
      %mul3A_327 = arith.muli %scan3A_311, %mul3A_326 : i32
      %get3A_328 = arith.constant 2 : i32
      %get3A_329 = arith.index_cast %get3A_328 : i32 to index
      %get3A_330 = arith.index_cast %mul3A_327 : i32 to index
      %get3A_331 = tpu.vector_load %arg11[%get3A_329, %get3A_330] {strides = array<i32>} : memref<16x512xf32, #tpu.memory_space<vmem>>, vector<16xf32>,
      %add3A_332 = arith.addf %add3A_325, %get3A_331 : vector<16xf32>
      %mul3A_333 = arith.constant 16 : i32
      %mul3A_334 = arith.muli %scan3A_311, %mul3A_333 : i32
      %get3A_335 = arith.constant 3 : i32
      %get3A_336 = arith.index_cast %get3A_335 : i32 to index
      %get3A_337 = arith.index_cast %mul3A_334 : i32 to index
      %get3A_338 = tpu.vector_load %arg11[%get3A_336, %get3A_337] {strides = array<i32>} : memref<16x512xf32, #tpu.memory_space<vmem>>, vector<16xf32>,
      %add3A_339 = arith.addf %add3A_332, %get3A_338 : vector<16xf32>
      %mul3A_340 = arith.constant 16 : i32
      %mul3A_341 = arith.muli %scan3A_311, %mul3A_340 : i32
      %get3A_342 = arith.constant 4 : i32
      %get3A_343 = arith.index_cast %get3A_342 : i32 to index
      %get3A_344 = arith.index_cast %mul3A_341 : i32 to index
      %get3A_345 = tpu.vector_load %arg11[%get3A_343, %get3A_344] {strides = array<i32>} : memref<16x512xf32, #tpu.memory_space<vmem>>, vector<16xf32>,
      %add3A_346 = arith.addf %add3A_339, %get3A_345 : vector<16xf32>
      %mul3A_347 = arith.constant 16 : i32
      %mul3A_348 = arith.muli %scan3A_311, %mul3A_347 : i32
      %get3A_349 = arith.constant 5 : i32
      %get3A_350 = arith.index_cast %get3A_349 : i32 to index
      %get3A_351 = arith.index_cast %mul3A_348 : i32 to index
      %get3A_352 = tpu.vector_load %arg11[%get3A_350, %get3A_351] {strides = array<i32>} : memref<16x512xf32, #tpu.memory_space<vmem>>, vector<16xf32>,
      %add3A_353 = arith.addf %add3A_346, %get3A_352 : vector<16xf32>
      %mul3A_354 = arith.constant 16 : i32
      %mul3A_355 = arith.muli %scan3A_311, %mul3A_354 : i32
      %get3A_356 = arith.constant 6 : i32
      %get3A_357 = arith.index_cast %get3A_356 : i32 to index
      %get3A_358 = arith.index_cast %mul3A_355 : i32 to index
      %get3A_359 = tpu.vector_load %arg11[%get3A_357, %get3A_358] {strides = array<i32>} : memref<16x512xf32, #tpu.memory_space<vmem>>, vector<16xf32>,
      %add3A_360 = arith.addf %add3A_353, %get3A_359 : vector<16xf32>
      %mul3A_361 = arith.constant 16 : i32
      %mul3A_362 = arith.muli %scan3A_311, %mul3A_361 : i32
      %get3A_363 = arith.constant 7 : i32
      %get3A_364 = arith.index_cast %get3A_363 : i32 to index
      %get3A_365 = arith.index_cast %mul3A_362 : i32 to index
      %get3A_366 = tpu.vector_load %arg11[%get3A_364, %get3A_365] {strides = array<i32>} : memref<16x512xf32, #tpu.memory_space<vmem>>, vector<16xf32>,
      %add3A_367 = arith.addf %add3A_360, %get3A_366 : vector<16xf32>
      %mul3A_368 = arith.constant 16 : i32
      %mul3A_369 = arith.muli %scan3A_311, %mul3A_368 : i32
      %get3A_370 = arith.constant 8 : i32
      %get3A_371 = arith.index_cast %get3A_370 : i32 to index
      %get3A_372 = arith.index_cast %mul3A_369 : i32 to index
      %get3A_373 = tpu.vector_load %arg11[%get3A_371, %get3A_372] {strides = array<i32>} : memref<16x512xf32, #tpu.memory_space<vmem>>, vector<16xf32>,
      %add3A_374 = arith.addf %add3A_367, %get3A_373 : vector<16xf32>
      %mul3A_375 = arith.constant 16 : i32
      %mul3A_376 = arith.muli %scan3A_311, %mul3A_375 : i32
      %get3A_377 = arith.constant 9 : i32
      %get3A_378 = arith.index_cast %get3A_377 : i32 to index
      %get3A_379 = arith.index_cast %mul3A_376 : i32 to index
      %get3A_380 = tpu.vector_load %arg11[%get3A_378, %get3A_379] {strides = array<i32>} : memref<16x512xf32, #tpu.memory_space<vmem>>, vector<16xf32>,
      %add3A_381 = arith.addf %add3A_374, %get3A_380 : vector<16xf32>
      %mul3A_382 = arith.constant 16 : i32
      %mul3A_383 = arith.muli %scan3A_311, %mul3A_382 : i32
      %get3A_384 = arith.constant 10 : i32
      %get3A_385 = arith.index_cast %get3A_384 : i32 to index
      %get3A_386 = arith.index_cast %mul3A_383 : i32 to index
      %get3A_387 = tpu.vector_load %arg11[%get3A_385, %get3A_386] {strides = array<i32>} : memref<16x512xf32, #tpu.memory_space<vmem>>, vector<16xf32>,
      %add3A_388 = arith.addf %add3A_381, %get3A_387 : vector<16xf32>
      %mul3A_389 = arith.constant 16 : i32
      %mul3A_390 = arith.muli %scan3A_311, %mul3A_389 : i32
      %get3A_391 = arith.constant 11 : i32
      %get3A_392 = arith.index_cast %get3A_391 : i32 to index
      %get3A_393 = arith.index_cast %mul3A_390 : i32 to index
      %get3A_394 = tpu.vector_load %arg11[%get3A_392, %get3A_393] {strides = array<i32>} : memref<16x512xf32, #tpu.memory_space<vmem>>, vector<16xf32>,
      %add3A_395 = arith.addf %add3A_388, %get3A_394 : vector<16xf32>
      %mul3A_396 = arith.constant 16 : i32
      %mul3A_397 = arith.muli %scan3A_311, %mul3A_396 : i32
      %get3A_398 = arith.constant 12 : i32
      %get3A_399 = arith.index_cast %get3A_398 : i32 to index
      %get3A_400 = arith.index_cast %mul3A_397 : i32 to index
      %get3A_401 = tpu.vector_load %arg11[%get3A_399, %get3A_400] {strides = array<i32>} : memref<16x512xf32, #tpu.memory_space<vmem>>, vector<16xf32>,
      %add3A_402 = arith.addf %add3A_395, %get3A_401 : vector<16xf32>
      %mul3A_403 = arith.constant 16 : i32
      %mul3A_404 = arith.muli %scan3A_311, %mul3A_403 : i32
      %get3A_405 = arith.constant 13 : i32
      %get3A_406 = arith.index_cast %get3A_405 : i32 to index
      %get3A_407 = arith.index_cast %mul3A_404 : i32 to index
      %get3A_408 = tpu.vector_load %arg11[%get3A_406, %get3A_407] {strides = array<i32>} : memref<16x512xf32, #tpu.memory_space<vmem>>, vector<16xf32>,
      %add3A_409 = arith.addf %add3A_402, %get3A_408 : vector<16xf32>
      %mul3A_410 = arith.constant 16 : i32
      %mul3A_411 = arith.muli %scan3A_311, %mul3A_410 : i32
      %get3A_412 = arith.constant 14 : i32
      %get3A_413 = arith.index_cast %get3A_412 : i32 to index
      %get3A_414 = arith.index_cast %mul3A_411 : i32 to index
      %get3A_415 = tpu.vector_load %arg11[%get3A_413, %get3A_414] {strides = array<i32>} : memref<16x512xf32, #tpu.memory_space<vmem>>, vector<16xf32>,
      %add3A_416 = arith.addf %add3A_409, %get3A_415 : vector<16xf32>
      %mul3A_417 = arith.constant 16 : i32
      %mul3A_418 = arith.muli %scan3A_311, %mul3A_417 : i32
      %get3A_419 = arith.constant 15 : i32
      %get3A_420 = arith.index_cast %get3A_419 : i32 to index
      %get3A_421 = arith.index_cast %mul3A_418 : i32 to index
      %get3A_422 = tpu.vector_load %arg11[%get3A_420, %get3A_421] {strides = array<i32>} : memref<16x512xf32, #tpu.memory_space<vmem>>, vector<16xf32>,
      %add3A_423 = arith.addf %add3A_416, %get3A_422 : vector<16xf32>
      %mul3A_424 = arith.constant 16 : i32
      %mul3A_425 = arith.muli %scan3A_311, %mul3A_424 : i32
      %swap3A_426 = arith.index_cast %mul3A_425 : i32 to index
      %swap3A_427 = tpu.vector_load %arg12[%swap3A_426] {strides = array<i32>} : memref<512xf32, #tpu.memory_space<vmem>>, vector<16xf32>,
      tpu.vector_store %arg12[%swap3A_426], %add3A_423 {strides = array<i32>} : memref<512xf32, #tpu.memory_space<vmem>>, vector<16xf32>,
      %scan3A_428 = arith.constant 0 : i32
      scf.yield %scan3A_428 : i32
    }
    %scan3A_308 = arith.constant 32 : i32
    %swap3A_309 = arith.constant 0 : index
    %swap3A_310 = tpu.vector_load %arg13[%swap3A_309] {strides = array<i32>} : memref<16xf32, #tpu.memory_space<vmem>>, vector<16xf32>,
    tpu.vector_store %arg13[%swap3A_309], %max3A_287 {strides = array<i32>} : memref<16xf32, #tpu.memory_space<vmem>>, vector<16xf32>,
    "tpu.region"() ({
      %run_scoped3A = tpu.sem_alloc : memref<!tpu.dma_semaphore, #tpu.memory_space<semaphore_mem>>
      %dma_start3A_311 = arith.constant 0 : i32
      %dma_start3A_312 = tpu.memref_slice %arg5[%add3A, %dma_start3A_311] : memref<32x512xf32, #tpu.memory_space<hbm>> -> memref<1x512xf32, #tpu.memory_space<hbm>>
      %dma_start3A_313 = tpu.memref_squeeze %dma_start3A_312 : memref<1x512xf32, #tpu.memory_space<hbm>> -> memref<512xf32, #tpu.memory_space<hbm>>
      %dma_start3A_314 = arith.constant 0 : i32
      %dma_start3A_315 = tpu.memref_slice %arg5[%add3A, %dma_start3A_314] : memref<32x512xf32, #tpu.memory_space<hbm>> -> memref<1x512xf32, #tpu.memory_space<hbm>>
      %dma_start3A_316 = tpu.memref_squeeze %dma_start3A_315 : memref<1x512xf32, #tpu.memory_space<hbm>> -> memref<512xf32, #tpu.memory_space<hbm>>
      tpu.enqueue_dma source(%arg12 : memref<512xf32, #tpu.memory_space<vmem>>) target(%dma_start3A_316 : memref<512xf32, #tpu.memory_space<hbm>>) target_semaphore(%run_scoped3A : memref<!tpu.dma_semaphore, #tpu.memory_space<semaphore_mem>>)
      %dma_wait3A_317 = arith.constant 0 : i32
      %dma_wait3A_318 = tpu.memref_slice %arg5[%add3A, %dma_wait3A_317] : memref<32x512xf32, #tpu.memory_space<hbm>> -> memref<1x512xf32, #tpu.memory_space<hbm>>
      %dma_wait3A_319 = tpu.memref_squeeze %dma_wait3A_318 : memref<1x512xf32, #tpu.memory_space<hbm>> -> memref<512xf32, #tpu.memory_space<hbm>>
      %dma_wait3A_320 = arith.constant 0 : i32
      %dma_wait3A_321 = tpu.memref_slice %arg5[%add3A, %dma_wait3A_320] : memref<32x512xf32, #tpu.memory_space<hbm>> -> memref<1x512xf32, #tpu.memory_space<hbm>>
      %dma_wait3A_322 = tpu.memref_squeeze %dma_wait3A_321 : memref<1x512xf32, #tpu.memory_space<hbm>> -> memref<512xf32, #tpu.memory_space<hbm>>
      tpu.wait_dma2 semaphore(%run_scoped3A : memref<!tpu.dma_semaphore, #tpu.memory_space<semaphore_mem>>) src(%arg12 : memref<512xf32, #tpu.memory_space<vmem>>) dst(%dma_wait3A_322 : memref<512xf32, #tpu.memory_space<hbm>>)
      tpu.yield
    }) : () -> ()
    "tpu.region"() ({
      %run_scoped3A = tpu.sem_alloc : memref<!tpu.dma_semaphore, #tpu.memory_space<semaphore_mem>>
      %dma_start3A_311 = arith.constant 0 : i32
      %dma_start3A_312 = tpu.memref_slice %arg6[%add3A, %dma_start3A_311] : memref<32x16xf32, #tpu.memory_space<hbm>> -> memref<1x16xf32, #tpu.memory_space<hbm>>
      %dma_start3A_313 = tpu.memref_squeeze %dma_start3A_312 : memref<1x16xf32, #tpu.memory_space<hbm>> -> memref<16xf32, #tpu.memory_space<hbm>>
      %dma_start3A_314 = arith.constant 0 : i32
      %dma_start3A_315 = tpu.memref_slice %arg6[%add3A, %dma_start3A_314] : memref<32x16xf32, #tpu.memory_space<hbm>> -> memref<1x16xf32, #tpu.memory_space<hbm>>
      %dma_start3A_316 = tpu.memref_squeeze %dma_start3A_315 : memref<1x16xf32, #tpu.memory_space<hbm>> -> memref<16xf32, #tpu.memory_space<hbm>>
      tpu.enqueue_dma source(%arg13 : memref<16xf32, #tpu.memory_space<vmem>>) target(%dma_start3A_316 : memref<16xf32, #tpu.memory_space<hbm>>) target_semaphore(%run_scoped3A : memref<!tpu.dma_semaphore, #tpu.memory_space<semaphore_mem>>)
      %dma_wait3A_317 = arith.constant 0 : i32
      %dma_wait3A_318 = tpu.memref_slice %arg6[%add3A, %dma_wait3A_317] : memref<32x16xf32, #tpu.memory_space<hbm>> -> memref<1x16xf32, #tpu.memory_space<hbm>>
      %dma_wait3A_319 = tpu.memref_squeeze %dma_wait3A_318 : memref<1x16xf32, #tpu.memory_space<hbm>> -> memref<16xf32, #tpu.memory_space<hbm>>
      %dma_wait3A_320 = arith.constant 0 : i32
      %dma_wait3A_321 = tpu.memref_slice %arg6[%add3A, %dma_wait3A_320] : memref<32x16xf32, #tpu.memory_space<hbm>> -> memref<1x16xf32, #tpu.memory_space<hbm>>
      %dma_wait3A_322 = tpu.memref_squeeze %dma_wait3A_321 : memref<1x16xf32, #tpu.memory_space<hbm>> -> memref<16xf32, #tpu.memory_space<hbm>>
      tpu.wait_dma2 semaphore(%run_scoped3A : memref<!tpu.dma_semaphore, #tpu.memory_space<semaphore_mem>>) src(%arg13 : memref<16xf32, #tpu.memory_space<vmem>>) dst(%dma_wait3A_322 : memref<16xf32, #tpu.memory_space<hbm>>)
      tpu.yield
    }) : () -> ()
    return
  }
}

module attributes {stable_mosaic.version = 14 : i64} {
  func.func @_fin_body(%arg0: memref<32x512xf32, #tpu.memory_space<vmem>>, %arg1: memref<32x16xf32, #tpu.memory_space<vmem>>, %arg2: memref<500x128xf32, #tpu.memory_space<vmem>>, %arg3: memref<500x128xf32, #tpu.memory_space<vmem>>) attributes {dimension_semantics = [], scalar_prefetch = 0 : i64, scratch_operands = 0 : i64, tpu.core_type = #tpu.core_type<tc>} {
    %get3A = arith.constant 0 : index
    %get3A_0 = arith.constant 0 : index
    %get3A_1 = vector.load %arg1[%get3A, %get3A_0] : memref<32x16xf32, #tpu.memory_space<vmem>>, vector<32x16xf32>
    %reduce_max3A = vector.shape_cast %get3A_1 : vector<32x16xf32> to vector<1x32x16xf32>
    %reduce_max3A_2 = arith.constant dense<0xFF800000> : vector<1xf32>
    %reduce_max3A_3 = vector.multi_reduction <maximumf>, %reduce_max3A, %reduce_max3A_2 [1, 2] : vector<1x32x16xf32> to vector<1xf32>
    %reduce_max3A_4 = vector.shape_cast %reduce_max3A_3 : vector<1xf32> to vector<1x1x1xf32>
    %reduce_max3A_5 = vector.extract %reduce_max3A_4[0, 0, 0] : f32 from vector<1x1x1xf32>
    %get3A_6 = arith.constant 0 : index
    %get3A_7 = arith.constant 0 : index
    %get3A_8 = vector.load %arg1[%get3A_6, %get3A_7] : memref<32x16xf32, #tpu.memory_space<vmem>>, vector<32x1xf32>
    %sub3A = vector.broadcast %reduce_max3A_5 : f32 to vector<32x1xf32>
    %sub3A_9 = arith.subf %get3A_8, %sub3A : vector<32x1xf32>
    %exp3A = math.exp %sub3A_9 : vector<32x1xf32>
    %get3A_10 = arith.constant 0 : index
    %get3A_11 = arith.constant 0 : index
    %get3A_12 = vector.load %arg0[%get3A_10, %get3A_11] : memref<32x512xf32, #tpu.memory_space<vmem>>, vector<32x512xf32>
    %mul3A = vector.broadcast %exp3A : vector<32x1xf32> to vector<32x512xf32>
    %mul3A_13 = arith.mulf %get3A_12, %mul3A : vector<32x512xf32>
    %reduce_sum3A = arith.constant dense<0.000000e+00> : vector<512xf32>
    %reduce_sum3A_14 = vector.multi_reduction <add>, %mul3A_13, %reduce_sum3A [0] : vector<32x512xf32> to vector<512xf32>
    %reduce_sum3A_15 = vector.shape_cast %reduce_sum3A_14 : vector<512xf32> to vector<1x512xf32>
    %reduce_sum3A_16 = arith.constant dense<0.000000e+00> : vector<1xf32>
    %reduce_sum3A_17 = vector.multi_reduction <add>, %reduce_sum3A_15, %reduce_sum3A_16 [1] : vector<1x512xf32> to vector<1xf32>
    %reduce_sum3A_18 = vector.shape_cast %reduce_sum3A_17 : vector<1xf32> to vector<1x1xf32>
    %reduce_sum3A_19 = vector.extract %reduce_sum3A_18[0, 0] : f32 from vector<1x1xf32>
    %slice3A = vector.extract_strided_slice %reduce_sum3A_14 {offsets = [0], sizes = [500], strides = [1]} : vector<512xf32> to vector<500xf32>
    %div3A = vector.broadcast %reduce_sum3A_19 : f32 to vector<500xf32>
    %div3A_20 = arith.divf %slice3A, %div3A : vector<500xf32>
    %get3A_21 = arith.constant 0 : index
    %get3A_22 = arith.constant 0 : index
    %get3A_23 = vector.load %arg2[%get3A_21, %get3A_22] : memref<500x128xf32, #tpu.memory_space<vmem>>, vector<500x128xf32>
    %broadcast_in_dim3A = vector.shape_cast %div3A_20 : vector<500xf32> to vector<500x1xf32>
    %mul3A_24 = vector.broadcast %broadcast_in_dim3A : vector<500x1xf32> to vector<500x128xf32>
    %mul3A_25 = arith.mulf %get3A_23, %mul3A_24 : vector<500x128xf32>
    %max3A = arith.constant 0.000000e+00 : f32
    %max3A_26 = vector.broadcast %max3A : f32 to vector<500x128xf32>
    %max3A_27 = arith.maximumf %mul3A_25, %max3A_26 : vector<500x128xf32>
    %swap3A = arith.constant 0 : index
    %swap3A_28 = arith.constant 0 : index
    %swap3A_29 = vector.load %arg3[%swap3A, %swap3A_28] : memref<500x128xf32, #tpu.memory_space<vmem>>, vector<500x128xf32>
    tpu.vector_store %arg3[%swap3A, %swap3A_28], %max3A_27 {strides = array<i32>} : memref<500x128xf32, #tpu.memory_space<vmem>>, vector<500x128xf32>,
    return
  }
}

module attributes {stable_mosaic.version = 14 : i64} {
  func.func @_mm_body(%arg0: i32, %arg1: memref<2000x128xf32, #tpu.memory_space<vmem>>, %arg2: memref<512x128xf32, #tpu.memory_space<vmem>>, %arg3: memref<128x128xf32, #tpu.memory_space<vmem>>, %arg4: memref<4x2000x128xf32, #tpu.memory_space<vmem>>) attributes {dimension_semantics = [#tpu.dimension_semantics<arbitrary>], iteration_bounds = array<i64: 5>, scalar_prefetch = 0 : i64, scratch_operands = 0 : i64, tpu.core_type = #tpu.core_type<tc>, window_params = [{transform_indices = @transform_0, window_bounds = array<i64: 2000, 128>}, {transform_indices = @transform_1, window_bounds = array<i64: 512, 128>}, {pipeline_mode = #tpu.pipeline_mode<synchronous>, transform_indices = @transform_2, window_bounds = array<i64: 128, 128>}, {transform_indices = @transform_3, window_bounds = array<i64: 4, 2000, 128>}]} {
    %get3A = arith.constant 0 : index
    %get3A_0 = arith.constant 0 : index
    %get3A_1 = vector.load %arg1[%get3A, %get3A_0] : memref<2000x128xf32, #tpu.memory_space<vmem>>, vector<2000x128xf32>
    %get3A_2 = arith.constant 0 : index
    %get3A_3 = arith.constant 0 : index
    %get3A_4 = vector.load %arg3[%get3A_2, %get3A_3] : memref<128x128xf32, #tpu.memory_space<vmem>>, vector<128x128xf32>
    %dot_general3A = arith.constant dense<0.000000e+00> : vector<2000x128xf32>
    %dot_general3A_5 = tpu.matmul %get3A_1, %get3A_4, %dot_general3A {dimension_numbers = #tpu.dot_dimension_numbers<[1], [1], [0], [0], [0, 0, 1, 0], [], []>, transpose_lhs_hint = false} : vector<2000x128xf32>, vector<128x128xf32>, vector<2000x128xf32> -> vector<2000x128xf32>
    %convert_element_type3A = arith.truncf %dot_general3A_5 : vector<2000x128xf32> to vector<2000x128xbf16>
    %convert_element_type3A_6 = arith.extf %convert_element_type3A : vector<2000x128xbf16> to vector<2000x128xf32>
    %sub3A = arith.subf %dot_general3A_5, %convert_element_type3A_6 : vector<2000x128xf32>
    %convert_element_type3A_7 = arith.truncf %sub3A : vector<2000x128xf32> to vector<2000x128xbf16>
    %get3A_8 = arith.constant 0 : index
    %get3A_9 = arith.constant 0 : index
    %get3A_10 = vector.load %arg2[%get3A_8, %get3A_9] : memref<512x128xf32, #tpu.memory_space<vmem>>, vector<512x128xf32>
    %slice3A = vector.extract_strided_slice %get3A_10 {offsets = [0, 0], sizes = [128, 128], strides = [1, 1]} : vector<512x128xf32> to vector<128x128xf32>
    %convert_element_type3A_11 = arith.truncf %slice3A : vector<128x128xf32> to vector<128x128xbf16>
    %convert_element_type3A_12 = arith.extf %convert_element_type3A_11 : vector<128x128xbf16> to vector<128x128xf32>
    %sub3A_13 = arith.subf %slice3A, %convert_element_type3A_12 : vector<128x128xf32>
    %convert_element_type3A_14 = arith.truncf %sub3A_13 : vector<128x128xf32> to vector<128x128xbf16>
    %dot_general3A_15 = arith.constant dense<0.000000e+00> : vector<2000x128xf32>
    %dot_general3A_16 = tpu.matmul %convert_element_type3A, %convert_element_type3A_11, %dot_general3A_15 {dimension_numbers = #tpu.dot_dimension_numbers<[1], [1], [0], [0], [0, 0, 1, 0], [], []>, transpose_lhs_hint = false} : vector<2000x128xbf16>, vector<128x128xbf16>, vector<2000x128xf32> -> vector<2000x128xf32>
    %dot_general3A_17 = arith.constant dense<0.000000e+00> : vector<2000x128xf32>
    %dot_general3A_18 = tpu.matmul %convert_element_type3A, %convert_element_type3A_14, %dot_general3A_17 {dimension_numbers = #tpu.dot_dimension_numbers<[1], [1], [0], [0], [0, 0, 1, 0], [], []>, transpose_lhs_hint = false} : vector<2000x128xbf16>, vector<128x128xbf16>, vector<2000x128xf32> -> vector<2000x128xf32>
    %add3A = arith.addf %dot_general3A_16, %dot_general3A_18 : vector<2000x128xf32>
    %dot_general3A_19 = arith.constant dense<0.000000e+00> : vector<2000x128xf32>
    %dot_general3A_20 = tpu.matmul %convert_element_type3A_7, %convert_element_type3A_11, %dot_general3A_19 {dimension_numbers = #tpu.dot_dimension_numbers<[1], [1], [0], [0], [0, 0, 1, 0], [], []>, transpose_lhs_hint = false} : vector<2000x128xbf16>, vector<128x128xbf16>, vector<2000x128xf32> -> vector<2000x128xf32>
    %add3A_21 = arith.addf %add3A, %dot_general3A_20 : vector<2000x128xf32>
    %swap3A = arith.constant 0 : index
    %swap3A_22 = arith.constant 0 : index
    %swap3A_23 = arith.constant 0 : index
    %swap3A_24 = vector.load %arg4[%swap3A, %swap3A_22, %swap3A_23] : memref<4x2000x128xf32, #tpu.memory_space<vmem>>, vector<1x2000x128xf32>
    %swap3A_25 = vector.shape_cast %swap3A_24 : vector<1x2000x128xf32> to vector<2000x128xf32>
    %swap3A_26 = vector.shape_cast %add3A_21 : vector<2000x128xf32> to vector<1x2000x128xf32>
    tpu.vector_store %arg4[%swap3A, %swap3A_22, %swap3A_23], %swap3A_26 {strides = array<i32>} : memref<4x2000x128xf32, #tpu.memory_space<vmem>>, vector<1x2000x128xf32>,
    %slice3A_27 = vector.extract_strided_slice %get3A_10 {offsets = [128, 0], sizes = [128, 128], strides = [1, 1]} : vector<512x128xf32> to vector<128x128xf32>
    %convert_element_type3A_28 = arith.truncf %slice3A_27 : vector<128x128xf32> to vector<128x128xbf16>
    %convert_element_type3A_29 = arith.extf %convert_element_type3A_28 : vector<128x128xbf16> to vector<128x128xf32>
    %sub3A_30 = arith.subf %slice3A_27, %convert_element_type3A_29 : vector<128x128xf32>
    %convert_element_type3A_31 = arith.truncf %sub3A_30 : vector<128x128xf32> to vector<128x128xbf16>
    %dot_general3A_32 = arith.constant dense<0.000000e+00> : vector<2000x128xf32>
    %dot_general3A_33 = tpu.matmul %convert_element_type3A, %convert_element_type3A_28, %dot_general3A_32 {dimension_numbers = #tpu.dot_dimension_numbers<[1], [1], [0], [0], [0, 0, 1, 0], [], []>, transpose_lhs_hint = false} : vector<2000x128xbf16>, vector<128x128xbf16>, vector<2000x128xf32> -> vector<2000x128xf32>
    %dot_general3A_34 = arith.constant dense<0.000000e+00> : vector<2000x128xf32>
    %dot_general3A_35 = tpu.matmul %convert_element_type3A, %convert_element_type3A_31, %dot_general3A_34 {dimension_numbers = #tpu.dot_dimension_numbers<[1], [1], [0], [0], [0, 0, 1, 0], [], []>, transpose_lhs_hint = false} : vector<2000x128xbf16>, vector<128x128xbf16>, vector<2000x128xf32> -> vector<2000x128xf32>
    %add3A_36 = arith.addf %dot_general3A_33, %dot_general3A_35 : vector<2000x128xf32>
    %dot_general3A_37 = arith.constant dense<0.000000e+00> : vector<2000x128xf32>
    %dot_general3A_38 = tpu.matmul %convert_element_type3A_7, %convert_element_type3A_28, %dot_general3A_37 {dimension_numbers = #tpu.dot_dimension_numbers<[1], [1], [0], [0], [0, 0, 1, 0], [], []>, transpose_lhs_hint = false} : vector<2000x128xbf16>, vector<128x128xbf16>, vector<2000x128xf32> -> vector<2000x128xf32>
    %add3A_39 = arith.addf %add3A_36, %dot_general3A_38 : vector<2000x128xf32>
    %swap3A_40 = arith.constant 1 : index
    %swap3A_41 = arith.constant 0 : index
    %swap3A_42 = arith.constant 0 : index
    %swap3A_43 = vector.load %arg4[%swap3A_40, %swap3A_41, %swap3A_42] : memref<4x2000x128xf32, #tpu.memory_space<vmem>>, vector<1x2000x128xf32>
    %swap3A_44 = vector.shape_cast %swap3A_43 : vector<1x2000x128xf32> to vector<2000x128xf32>
    %swap3A_45 = vector.shape_cast %add3A_39 : vector<2000x128xf32> to vector<1x2000x128xf32>
    tpu.vector_store %arg4[%swap3A_40, %swap3A_41, %swap3A_42], %swap3A_45 {strides = array<i32>} : memref<4x2000x128xf32, #tpu.memory_space<vmem>>, vector<1x2000x128xf32>,
    %slice3A_46 = vector.extract_strided_slice %get3A_10 {offsets = [256, 0], sizes = [128, 128], strides = [1, 1]} : vector<512x128xf32> to vector<128x128xf32>
    %convert_element_type3A_47 = arith.truncf %slice3A_46 : vector<128x128xf32> to vector<128x128xbf16>
    %convert_element_type3A_48 = arith.extf %convert_element_type3A_47 : vector<128x128xbf16> to vector<128x128xf32>
    %sub3A_49 = arith.subf %slice3A_46, %convert_element_type3A_48 : vector<128x128xf32>
    %convert_element_type3A_50 = arith.truncf %sub3A_49 : vector<128x128xf32> to vector<128x128xbf16>
    %dot_general3A_51 = arith.constant dense<0.000000e+00> : vector<2000x128xf32>
    %dot_general3A_52 = tpu.matmul %convert_element_type3A, %convert_element_type3A_47, %dot_general3A_51 {dimension_numbers = #tpu.dot_dimension_numbers<[1], [1], [0], [0], [0, 0, 1, 0], [], []>, transpose_lhs_hint = false} : vector<2000x128xbf16>, vector<128x128xbf16>, vector<2000x128xf32> -> vector<2000x128xf32>
    %dot_general3A_53 = arith.constant dense<0.000000e+00> : vector<2000x128xf32>
    %dot_general3A_54 = tpu.matmul %convert_element_type3A, %convert_element_type3A_50, %dot_general3A_53 {dimension_numbers = #tpu.dot_dimension_numbers<[1], [1], [0], [0], [0, 0, 1, 0], [], []>, transpose_lhs_hint = false} : vector<2000x128xbf16>, vector<128x128xbf16>, vector<2000x128xf32> -> vector<2000x128xf32>
    %add3A_55 = arith.addf %dot_general3A_52, %dot_general3A_54 : vector<2000x128xf32>
    %dot_general3A_56 = arith.constant dense<0.000000e+00> : vector<2000x128xf32>
    %dot_general3A_57 = tpu.matmul %convert_element_type3A_7, %convert_element_type3A_47, %dot_general3A_56 {dimension_numbers = #tpu.dot_dimension_numbers<[1], [1], [0], [0], [0, 0, 1, 0], [], []>, transpose_lhs_hint = false} : vector<2000x128xbf16>, vector<128x128xbf16>, vector<2000x128xf32> -> vector<2000x128xf32>
    %add3A_58 = arith.addf %add3A_55, %dot_general3A_57 : vector<2000x128xf32>
    %swap3A_59 = arith.constant 2 : index
    %swap3A_60 = arith.constant 0 : index
    %swap3A_61 = arith.constant 0 : index
    %swap3A_62 = vector.load %arg4[%swap3A_59, %swap3A_60, %swap3A_61] : memref<4x2000x128xf32, #tpu.memory_space<vmem>>, vector<1x2000x128xf32>
    %swap3A_63 = vector.shape_cast %swap3A_62 : vector<1x2000x128xf32> to vector<2000x128xf32>
    %swap3A_64 = vector.shape_cast %add3A_58 : vector<2000x128xf32> to vector<1x2000x128xf32>
    tpu.vector_store %arg4[%swap3A_59, %swap3A_60, %swap3A_61], %swap3A_64 {strides = array<i32>} : memref<4x2000x128xf32, #tpu.memory_space<vmem>>, vector<1x2000x128xf32>,
    %slice3A_65 = vector.extract_strided_slice %get3A_10 {offsets = [384, 0], sizes = [128, 128], strides = [1, 1]} : vector<512x128xf32> to vector<128x128xf32>
    %convert_element_type3A_66 = arith.truncf %slice3A_65 : vector<128x128xf32> to vector<128x128xbf16>
    %convert_element_type3A_67 = arith.extf %convert_element_type3A_66 : vector<128x128xbf16> to vector<128x128xf32>
    %sub3A_68 = arith.subf %slice3A_65, %convert_element_type3A_67 : vector<128x128xf32>
    %convert_element_type3A_69 = arith.truncf %sub3A_68 : vector<128x128xf32> to vector<128x128xbf16>
    %dot_general3A_70 = arith.constant dense<0.000000e+00> : vector<2000x128xf32>
    %dot_general3A_71 = tpu.matmul %convert_element_type3A, %convert_element_type3A_66, %dot_general3A_70 {dimension_numbers = #tpu.dot_dimension_numbers<[1], [1], [0], [0], [0, 0, 1, 0], [], []>, transpose_lhs_hint = false} : vector<2000x128xbf16>, vector<128x128xbf16>, vector<2000x128xf32> -> vector<2000x128xf32>
    %dot_general3A_72 = arith.constant dense<0.000000e+00> : vector<2000x128xf32>
    %dot_general3A_73 = tpu.matmul %convert_element_type3A, %convert_element_type3A_69, %dot_general3A_72 {dimension_numbers = #tpu.dot_dimension_numbers<[1], [1], [0], [0], [0, 0, 1, 0], [], []>, transpose_lhs_hint = false} : vector<2000x128xbf16>, vector<128x128xbf16>, vector<2000x128xf32> -> vector<2000x128xf32>
    %add3A_74 = arith.addf %dot_general3A_71, %dot_general3A_73 : vector<2000x128xf32>
    %dot_general3A_75 = arith.constant dense<0.000000e+00> : vector<2000x128xf32>
    %dot_general3A_76 = tpu.matmul %convert_element_type3A_7, %convert_element_type3A_66, %dot_general3A_75 {dimension_numbers = #tpu.dot_dimension_numbers<[1], [1], [0], [0], [0, 0, 1, 0], [], []>, transpose_lhs_hint = false} : vector<2000x128xbf16>, vector<128x128xbf16>, vector<2000x128xf32> -> vector<2000x128xf32>
    %add3A_77 = arith.addf %add3A_74, %dot_general3A_76 : vector<2000x128xf32>
    %swap3A_78 = arith.constant 3 : index
    %swap3A_79 = arith.constant 0 : index
    %swap3A_80 = arith.constant 0 : index
    %swap3A_81 = vector.load %arg4[%swap3A_78, %swap3A_79, %swap3A_80] : memref<4x2000x128xf32, #tpu.memory_space<vmem>>, vector<1x2000x128xf32>
    %swap3A_82 = vector.shape_cast %swap3A_81 : vector<1x2000x128xf32> to vector<2000x128xf32>
    %swap3A_83 = vector.shape_cast %add3A_77 : vector<2000x128xf32> to vector<1x2000x128xf32>
    tpu.vector_store %arg4[%swap3A_78, %swap3A_79, %swap3A_80], %swap3A_83 {strides = array<i32>} : memref<4x2000x128xf32, #tpu.memory_space<vmem>>, vector<1x2000x128xf32>,
    return
  }
  func.func @transform_0(%arg0: i32) -> (i32, i32) {
    %c0_i32 = arith.constant 0 : i32
    %c0_i32_0 = arith.constant 0 : i32
    return %arg0, %c0_i32 : i32, i32
  }
  func.func @transform_1(%arg0: i32) -> (i32, i32) {
    %c0_i32 = arith.constant 0 : i32
    %c0_i32_0 = arith.constant 0 : i32
    %c0_i32_1 = arith.constant 0 : i32
    return %c0_i32, %c0_i32_0 : i32, i32
  }
  func.func @transform_2(%arg0: i32) -> (i32, i32) {
    %c0_i32 = arith.constant 0 : i32
    %c0_i32_0 = arith.constant 0 : i32
    %c0_i32_1 = arith.constant 0 : i32
    return %c0_i32, %c0_i32_0 : i32, i32
  }
  func.func @transform_3(%arg0: i32) -> (i32, i32, i32) {
    %c0_i32 = arith.constant 0 : i32
    %c0_i32_0 = arith.constant 0 : i32
    %c0_i32_1 = arith.constant 0 : i32
    return %c0_i32, %arg0, %c0_i32_0 : i32, i32, i32
  }
}

</mosaic_0001>

<sc_bundles>
// kernel: kernel.5.cloned.1.call-start
scs
__scs_entry_jumppad:
0x0: {  	(pc) =	sbr.rel $0x88, $3  }
0x1: {  	(tag) =	ssettag $0x0;
	lr =	simm.s32 $0x1  }
0x2: {  	[smem:$0x3F9C] =	sst lr;
	_ =	strace $0xD0000000  }
0x3: {  	_ = 	snop  }
0x4: {  	_ = 	snop  }
0x5: {  	_ = 	snop  }
0x6: {  	_ = 	snop  }
0x7: {  	_ = 	snop  }
__scs_overlays_trampoline_lowered:
0x8: {  	[smem:$0x3FAB] =	sst s0  }
0x9: {  	[smem:$0x3FAC] =	sst s1  }
0xa: {  	[smem:$0x3FAD] =	sst s2  }
0xb: {  	[smem:$0x3FAE] =	sst s3  }
0xc: {  	[smem:$0x3FAF] =	sst s4  }
0xd: {  	[smem:$0x3FB0] =	sst s5  }
0xe: {  	[smem:$0x3FB1] =	sst s6  }
0xf: {  	[smem:$0x3FB2] =	sst s7  }
0x10: {  	[smem:$0x3FB3] =	sst s8  }
0x11: {  	[smem:$0x3FB4] =	sst s9;
	s0 =	simm.s32 @!p0 $0x0  }
0x12: {  	s1 =	sld [smem:$0x3F9A];
	s0 =	simm.s32 @p0 $0x1  }
0x13: {  	[smem:$0x3FB5] =	sst s0;
	s0 =	simm.s32 @!p1 $0x0  }
0x14: {  	s2 =	sld [smem:$0x3F99];
	s0 =	simm.s32 @p1 $0x1  }
0x15: {  	[smem:$0x3FB6] =	sst s0;
	s0 =	simm.s32 @!p2 $0x0  }
0x16: {  	s3 =	sld [smem:$0x3FDB];
	s0 =	simm.s32 @p2 $0x1  }
0x17: {  	s4 =	simm.s32 $0x1BF5;
	[smem:$0x3FB8] =	sst s0  }
0x18: {  	s0 =	sld [smem:$0x3F9B];
	_ =	swait.ge [sflag:s4], $0x0  }
0x19: {  	s7 =	sld [smem:$0x3F9C]  }
0x1a: {  	s8 =	sadd.s32 $0xFFFFE003, lr  }
0x1b: {  	s9 =	sadd.s32 $0xFFFFFEF7, lr;
	s5 =	simm.s32 $0xFFFFFFFF;
	p2 =	slt.u32 s8, $0xFFFFF086  }
0x1c: {  	p1 =	slt.u32 s9, $0xF7A;
	s5 =	simm.s32 @!p2 $0x0  }
0x1d: {  	s5 =	simm.s32 @p1 $0x1;
	p0 =	seq.s32 s7, s2  }
0x1e: {  	s7 =	smul.u32 @!p0 $0xF7A, s2;
	p2 =	seq.s32 @!p0 s5, $0x0  }
0x1f: {  	s9 =	smul.u32 $0xF7A, s1;
	s8 =	simm.s32 @!p0 $0x1BF5;
	p2 =	por !p2, p0  }
0x20: {  	[sflag:s8] =	ssyncset.s32 @!p0 $0xFFFFF086;
	s6 =	sadd.s32 @!p0 s3, s7;
	s7 =	simm.s32 @!p0 $0x108  }
0x21: {  	s3 =	sadd.s32 s3, s9;
	s6 =	sadd.s32 @!p0 $0x88, s6;
	s7 =	simm.s32 @p2 $0x1082  }
0x22: {  	[simem:s7], [sflag:s8] =	dma.local @!p0 [hbm:s6], $0xF7A  }
0x23: {  	s9 =	sor.u32 $0xD0000000, s2;
	s6 =	simm.s32 $0x108;
	_ =	swait.ge @!p0 [sflag:s8], $0x0  }
0x24: {  	s3 =	sadd.s32 $0x88, s3;
	s6 =	simm.s32 @!p1 $0x1082;
	[sflag:s4] =	ssyncset.s32 $0xFFFFF086  }
0x25: {  	[simem:s6], [sflag:s4] =	dma.local [hbm:s3], $0xF7A  }
0x26: {  	[smem:$0x3F9C] =	sst s1;
	(tag) =	ssettag s2;
	_ =	strace s9  }
0x27: {  	s1 =	sld [smem:$0x3FAC]  }
0x28: {  	s2 =	sld [smem:$0x3FAD]  }
0x29: {  	s4 =	sld [smem:$0x3FAF]  }
0x2a: {  	p0 =	seq.s32 s5, $0x0;
	s5 =	sld [smem:$0x3FB0]  }
0x2b: {  	s6 =	sld [smem:$0x3FB1]  }
0x2c: {  	s7 =	sld [smem:$0x3FB2]  }
0x2d: {  	s3 =	simm.s32 $0x108;
	s8 =	sld [smem:$0x3FB3]  }
0x2e: {  	s3 =	simm.s32 @!p0 $0x1082;
	s9 =	sld [smem:$0x3FB4]  }
0x2f: {  	lr =	sadd.s32 s0, s3;
	s0 =	sld [smem:$0x3FAB]  }
0x30: {  	s3 =	sld [smem:$0x3FAE]  }
0x31: {  	[smem:$0x3FB7] =	sst s10  }
0x32: {  	s10 =	sld [smem:$0x3FB5];
	_ =	sdelay $0x3  }
0x33: {  	p0 =	seq.s32 s10, $0x1;
	s10 =	sld [smem:$0x3FB7];
	_ =	sdelay $0x3  }
0x34: {  	[smem:$0x3FB7] =	sst s10  }
0x35: {  	s10 =	sld [smem:$0x3FB6];
	_ =	sdelay $0x3  }
0x36: {  	p1 =	seq.s32 s10, $0x1;
	s10 =	sld [smem:$0x3FB7];
	_ =	sdelay $0x3  }
0x37: {  	[smem:$0x3FB7] =	sst s10  }
0x38: {  	s10 =	sld [smem:$0x3FB8]  }
0x39: {  	_ = 	snop;
	(pc) =	sbr.ind lr, $3  }
0x3a: {  	_ = 	snop  }
0x3b: {  	_ = 	snop  }
0x3c: {  	p2 =	seq.s32 s10, $0x1;
	s10 =	sld [smem:$0x3FB7]  }
0x3d: {  	_ =	shalt  }
0x3e: {  	_ =	shalt  }
0x3f: {  	_ =	shalt  }
0x40: {  	_ =	shalt  }
0x41: {  	_ =	shalt  }
0x42: {  	_ =	shalt  }
0x43: {  	_ =	shalt  }
0x44: {  	_ =	shalt  }
0x45: {  	_ =	shalt  }
0x46: {  	_ =	shalt  }
0x47: {  	_ =	shalt  }
0x48: {  	_ =	shalt  }
0x49: {  	_ =	shalt  }
0x4a: {  	_ =	shalt  }
0x4b: {  	_ =	shalt  }
0x4c: {  	_ =	shalt  }
0x4d: {  	_ =	shalt  }
0x4e: {  	_ =	shalt  }
0x4f: {  	_ =	shalt  }
0x50: {  	_ =	shalt  }
0x51: {  	_ =	shalt  }
0x52: {  	_ =	shalt  }
0x53: {  	_ =	shalt  }
0x54: {  	_ =	shalt  }
0x55: {  	_ =	shalt  }
0x56: {  	_ =	shalt  }
0x57: {  	_ =	shalt  }
0x58: {  	_ =	shalt  }
0x59: {  	_ =	shalt  }
0x5a: {  	_ =	shalt  }
0x5b: {  	_ =	shalt  }
0x5c: {  	_ =	shalt  }
0x5d: {  	_ =	shalt  }
0x5e: {  	_ =	shalt  }
0x5f: {  	_ =	shalt  }
0x60: {  	_ =	shalt  }
0x61: {  	_ =	shalt  }
0x62: {  	_ =	shalt  }
0x63: {  	_ =	shalt  }
0x64: {  	_ =	shalt  }
0x65: {  	_ =	shalt  }
0x66: {  	_ =	shalt  }
0x67: {  	_ =	shalt  }
0x68: {  	_ =	shalt  }
0x69: {  	_ =	shalt  }
0x6a: {  	_ =	shalt  }
0x6b: {  	_ =	shalt  }
0x6c: {  	_ =	shalt  }
0x6d: {  	_ =	shalt  }
0x6e: {  	_ =	shalt  }
0x6f: {  	_ =	shalt  }
0x70: {  	_ =	shalt  }
0x71: {  	_ =	shalt  }
0x72: {  	_ =	shalt  }
0x73: {  	_ =	shalt  }
0x74: {  	_ =	shalt  }
0x75: {  	_ =	shalt  }
0x76: {  	_ =	shalt  }
0x77: {  	_ =	shalt  }
0x78: {  	_ =	shalt  }
0x79: {  	_ =	shalt  }
0x7a: {  	_ =	shalt  }
0x7b: {  	_ =	shalt  }
0x7c: {  	_ =	shalt  }
0x7d: {  	_ =	shalt  }
0x7e: {  	_ =	shalt  }
0x7f: {  	_ =	shalt  }
0x80: {  	_ =	shalt  }
0x81: {  	_ =	shalt  }
0x82: {  	_ =	shalt  }
0x83: {  	_ =	shalt  }
0x84: {  	_ =	shalt  }
0x85: {  	_ =	shalt  }
0x86: {  	_ =	shalt  }
0x87: {  	_ =	shalt  }
.Lfunc_end0:
.L_simem_size_0:
called_computation_lowered:
.L_overlay_start_0:
0x88: {  	s2 =	sld [smem:$0x3FD9]  }
0x89: {  	s3 =	sld [smem:$0x3FFE];
	_ =	sdelay $0x1  }
0x8a: {  	s1 =	srdreg.scid  }
0x8b: {  	s0 =	sand.u32 $0x1, s1  }
0x8c: {  	s17 =	sshll.u32 s0, $0xA;
	s2 =	sadd.s32 s3, s2  }
0x8d: {  	s2 =	sadd.s32 s2, s17  }
0x8e: {  	[smem:$0x3FC3] =	sst s2  }
0x8f: {  	_ = 	snop  }
0x90: {  	s2 =	sld [smem:$0x3FC8]  }
0x91: {  	s18 =	sld [smem:$0x3FC7]  }
0x92: {  	s4 =	sld [smem:$0x3FD0];
	(tm) =	ssettm $0x1  }
0x93: {  	s5 =	sld [smem:$0x3FFB];
	_ =	sdelay $0x3  }
0x94: {  	_ =	strace s5  }
0x95: {  	s5 =	sld [smem:$0x3FFC];
	_ =	sdelay $0x3  }
0x96: {  	_ =	strace s5  }
0x97: {  	s5 =	sld [smem:$0x3FFD];
	_ =	sdelay $0x3  }
0x98: {  	_ =	strace s5  }
0x99: {  	_ =	strace $0x8FFFFFFF  }
0x9a: {  	s19 =	sld [smem:$0x3FDB];
	_ =	sdelay $0x1  }
0x9b: {  	s6 =	simm.s32 $_scs_section_size  }
0x9c: {  	s7 =	simm.s32 $_size__tile_overlayer_lowered;
	s8 =	simm.s32 $_tile_overlayer_lowered  }
0x9d: {  	s22 =	simm.s32 $0x1BFF;
	s21 =	sshll.u32 s8, $0x1;
	s5 =	sadd.s32 s6, s19  }
0x9e: {  	s9 =	simm.s32 $0x0;
	s20 =	sshll.u32 s7, $0x1;
	s7 =	sadd.s32 s21, s5  }
0x9f: {  	[timem:s9], [sflag:s22] =	dma.local [hbm:s7], s20  }
0xa0: {  	_ =	swait.ge [sflag:s22], s20  }
0xa1: {  	s6 =	ssub.s32 $0x0, s20;
	[sflag:s22] =	ssyncset.done $0x0  }
0xa2: {  	[sflag:s22] =	ssyncadd.s32 s6;
	_ =	sdelay $0x1  }
0xa3: {  	s23 =	simm.s32 $0x1B8B  }
0xa4: {  	_ =	swait.ge [sflag:s23], $0x1  }
0xa5: {  	[sflag:s23] =	ssyncset.done $0x0  }
0xa6: {  	s25 =	simm.s32 $0x1B8E;
	s24 =	sld [smem:$0x3FFE];
	[sflag:s23] =	ssyncadd.s32 $0xFFFFFFFF  }
0xa7: {  	s26 =	simm.s32 $execute0_lowered;
	[smem:$0x3FD2] =	sst s25  }
0xa8: {  	s7 =	sshll.u32 s26, $0x1;
	_ =	strace $0x80000046;
	[dreg:$0x1] =	wrdreg $0xFFFFFFFF  }
0xa9: {  	s28 =	simm.s32 $_size_execute0_lowered;
	s5 =	sadd.s32 s5, s7;
	[dreg:$0x0] =	wrdreg $0x0  }
0xaa: {  	s7 =	sshll.u32 s28, $0x1;
	[dreg:$0x2] =	wrdreg s5  }
0xab: {  	[dreg:$0x3] =	wrdreg s7  }
0xac: {  	[dreg:$0x4] =	wrdreg $0xC0  }
0xad: {  	_ =	task [dreg:s9], $0x5FFFF  }
0xae: {  	[dreg:$0x1] =	wrdreg $0xFFFFFFFF  }
0xaf: {  	[dreg:$0x0] =	wrdreg $0x60  }
0xb0: {  	[dreg:$0x2] =	wrdreg s24  }
0xb1: {  	[dreg:$0x3] =	wrdreg s2  }
0xb2: {  	[dreg:$0x4] =	wrdreg s18  }
0xb3: {  	[dreg:$0x5] =	wrdreg s4  }
0xb4: {  	[dreg:$0x6] =	wrdreg $0x9  }
0xb5: {  	_ =	task.clear_ibuf [dreg:s9], $0x7FFFF;
	_ =	strace $0x90000046  }
0xb6: {  	s29 =	simm.s32 $0x9;
	_ =	strace $0x80000048  }
0xb7: {  	_ =	swait.ge [sflag:s29], $0x1  }
0xb8: {  	[sflag:s29] =	ssyncadd.s32 $0xFFFFFFFF  }
0xb9: {  	_ =	strace $0x90000048  }
0xba: {  	_ =	sfence  }
0xbb: {  	s30 =	sld [smem:$0x0];
	_ =	sdelay $0x2  }
0xbc: {  	s31 =	sshll.u32 s1, $0xD;
	s1 =	sshrl.u32 s1, $0x2  }
0xbd: {  	s3 =	sand.u32 $0x4000, s31;
	s1 =	sadd.s32 s1, s30  }
0xbe: {  	s0 =	sor.u32 s3, s0;
	s1 =	sshll.u32 s1, $0x11  }
0xbf: {  	s0 =	sor.u32 s1, s0  }
0xc0: {  	s0 =	sadd.s32 $0x8F2B, s0  }
0xc1: {  	[sflag:s0] =	ssyncadd.remote.s32 $0x1  }
0xc2: {  	_ =	sfence.sel $0xFFFF  }
0xc3: {  	[dreg:$0x0] =	wrdreg $0xFFFFFFFF;
	(pc) =	sbr.abs _section_cstart, $3  }
0xc4: {  	[dreg:$0x1] =	wrdreg $0xFFFFFFFF  }
0xc5: {  	_ =	task.clear_ibuf [dreg:s9], $0x2FFFF;
	_ =	strace $0x9FFFFFFF  }
0xc6: {  	(tm) =	ssettm $0x7FFFFFFF  }
0xc7: {  	_ =	shalt  }
tec
execute0_lowered:
.L_overlay_start_1:
0x0: {  	(tag) =	ssettag $0x1  }
0x1: {  	v0 =	vlaneseq.u32;
	v16 =	vimm.s32 $0x76543210;
	v17 =	vimm.s32 $0xFEDCBA98  }
0x2: {  	s0 =	srdreg.scid;
	s15 =	stileid.u32;
	v18 =	vimm.s32 $0xBA98FEDC;
	v19 =	vimm.s32 $0x32107654;
	vm0 =	vcmask $0x300  }
0x3: {  	vm14 =	vcmask $0x704;
	vm15 =	vcmask $0xB08;
	vm4 =	vcmask $0xF0C;
	s0 =	sand.u32 $0x1, s0;
	s1 =	sshll.u32 s15, $0x1  }
0x4: {  	v17 =	vunpack.c.l.s4.s8 v17;
	v18 =	vunpack.c.l.s4.s8 v18;
	v19 =	vunpack.c.l.s4.s8 v19;
	s1 =	sor.u32 s0, s1  }
0x5: {  	vm5 =	vcmask $0x1310;
	v20 =	vimm.s32 $0xEFCDAB89;
	v14 =	vmul.u32 $0x40, v0;
	s2 =	sshll.u32 s1, $0x8  }
0x6: {  	v17 =	vunpack.c.0.s8.s32 v17;
	v18 =	vunpack.c.0.s8.s32 v18;
	v19 =	vunpack.c.0.s8.s32 v19;
	s3 =	sor.u32 $0x10, s2;
	s31 =	sor.u32 $0x20, s2;
	s4 =	sor.u32 $0xA0, s2  }
0x7: {  	s5 =	sor.u32 $0x30, s2;
	s6 =	sor.u32 $0xB0, s2;
	s7 =	sor.u32 $0x40, s2;
	v1 =	vmov s3;
	v2 =	vmov s31;
	v3 =	vmov s4  }
0x8: {  	s8 =	sor.u32 $0xC0, s2;
	s9 =	sor.u32 $0x50, s2;
	s10 =	sor.u32 $0xD0, s2;
	v4 =	vmov s5;
	v5 =	vmov s6;
	v6 =	vmov s7  }
0x9: {  	s11 =	sor.u32 $0x60, s2;
	s12 =	sor.u32 $0xE0, s2;
	s13 =	sor.u32 $0x70, s2;
	v7 =	vmov s8;
	v8 =	vmov s9;
	v9 =	vmov s10  }
0xa: {  	s30 =	sor.u32 $0x90, s2;
	s16 =	sor.u32 $0xF0, s2;
	s2 =	sor.u32 $0x80, s2;
	v10 =	vmov s11;
	v11 =	vmov s12;
	v12 =	vmov s13  }
0xb: {  	v13 =	vmov s16;
	v15 =	vmov s2;
	v0 =	vshll.u32 v1, $0x6  }
0xc: {  	v1 =	vmov s30;
	v2 =	vshll.u32 v2, $0x6;
	v3 =	vshll.u32 v3, $0x6  }
0xd: {  	v4 =	vshll.u32 v4, $0x6;
	v5 =	vshll.u32 v5, $0x6;
	v6 =	vshll.u32 v6, $0x6  }
0xe: {  	v7 =	vshll.u32 v7, $0x6;
	v8 =	vshll.u32 v8, $0x6;
	v9 =	vshll.u32 v9, $0x6  }
0xf: {  	v10 =	vshll.u32 v10, $0x6;
	v11 =	vshll.u32 v11, $0x6;
	v12 =	vshll.u32 v12, $0x6  }
0x10: {  	v13 =	vshll.u32 v13, $0x6;
	v15 =	vshll.u32 v15, $0x6;
	v0 =	vor.u32 v14, v0  }
0x11: {  	v1 =	vshll.u32 v1, $0x6;
	v2 =	vor.u32 v14, v2;
	v3 =	vor.u32 v14, v3  }
0x12: {  	s28 =	smul.u32 $0x9C40, s15;
	v4 =	vor.u32 v14, v4;
	v5 =	vor.u32 v14, v5;
	v6 =	vor.u32 v14, v6  }
0x13: {  	s14 =	rddreg [dreg:$0x0];
	s19 =	ssub.s32 $0x2, s0;
	s25 =	smul.u32 $0x2710, s0;
	v7 =	vor.u32 v14, v7;
	v8 =	vor.u32 v14, v8;
	v9 =	vor.u32 v14, v9  }
0x14: {  	s0 =	smul.u32 $0x4E20, s0;
	s17 =	sshll.u32 s1, $0x7;
	s5 =	rddreg [dreg:$0x1];
	v10 =	vor.u32 v14, v10;
	v11 =	vor.u32 v14, v11;
	v12 =	vor.u32 v14, v12  }
0x15: {  	s1 =	smul.u32 $0x2710, s1;
	s21 =	sshrl.u32 s19, $0x1;
	s6 =	rddreg [dreg:$0x2];
	v13 =	vor.u32 v14, v13;
	v1 =	vor.u32 v14, v1;
	v14 =	vor.u32 v14, v15  }
0x16: {  	s0 =	sadd.s32 s0, s28;
	s8 =	rddreg [dreg:$0x3];
	s2 =	simm.s32 $0x0;
	v15 =	vand.u32 $0xF, v17;
	v17 =	vcombine.low v19, v18;
	v18 =	vimm.s32 $0x1380  }
0x17: {  	vm6 =	vcmask $0x1714;
	vm7 =	vcmask $0x1B18;
	s9 =	sshrl.u32 s15, $0x2;
	s10 =	sand.u32 $0x380, s17;
	s3 =	sadd.s32 $0x1200, s14;
	v18 =	vsel vm0, $0x0, v18  }
0x18: {  	v21 =	vimm.s32 $0x67452301;
	v16 =	vunpack.c.l.s4.s8 v16;
	s11 =	sshrl.u32 s1, $0x7;
	s23 =	sshrl.u32 s1, $0x3;
	[smem:$0x7FF] =	sst s2;
	v18 =	vsel vm14, $0x80, v18  }
0x19: {  	vm8 =	vcmask $0x1F1C;
	vm9 =	vcmask $0x2320;
	s18 =	sshll.u32 s9, $0xA;
	s20 =	smin.u32 s11, $0x974;
	s11 =	ssub.s32 s19, s21;
	v18 =	vsel vm15, $0x100, v18  }
0x1a: {  	vm10 =	vcmask $0x2724;
	v16 =	vunpack.c.0.s8.s32 v16;
	s6 =	sadd.s32 s6, s23;
	s26 =	sshll.u32 s9, $0xC;
	s19 =	simm.s32 $0xE980;
	v18 =	vsel vm4, $0x180, v18  }
0x1b: {  	vm11 =	vcmask $0x2B28;
	s23 =	simm.s32 $0x2;
	s7 =	sor.u32 s18, s10;
	s13 =	sshll.u32 s20, $0x7;
	v19 =	vimm.s32 $0x54761032;
	v18 =	vsel vm5, $0x200, v18  }
0x1c: {  	_ =	strace $0x80000047;
	s7 =	sshrl.u32 s7, $0x3;
	s13 =	ssub.s32 s1, s13;
	v15 =	vcombine.low v15, v16;
	v16 =	vimm.s32 $0xDCFE98BA;
	v18 =	vsel vm6, $0x280, v18  }
0x1d: {  	s12 =	sadd.s32 s7, s14;
	s7 =	sshll.u32 s20, $0x5;
	v19 =	vunpack.c.l.s4.s8 v19;
	s13 =	sshll.u32 s13, $0x1;
	v16 =	vunpack.c.l.s4.s8 v16;
	v18 =	vsel vm7, $0x300, v18  }
0x1e: {  	v20 =	vunpack.c.l.s4.s8 v20;
	v21 =	vunpack.c.l.s4.s8 v21;
	s14 =	smul.u32 $0x4E20, s15;
	s20 =	simm.s32 $0xC780;
	s22 =	sadd.s32 s5, s7;
	v18 =	vsel vm8, $0x380, v18  }
0x1f: {  	s5 =	sand.u32 $0x70, s1;
	s24 =	sand.u32 $0xFFFFFF00, s13;
	s1 =	sor.u32 s26, s10;
	v19 =	vunpack.c.0.s8.s32 v19;
	v16 =	vunpack.c.0.s8.s32 v16;
	v18 =	vsel vm9, $0x1000, v18  }
0x20: {  	v20 =	vunpack.c.0.s8.s32 v20;
	v21 =	vunpack.c.0.s8.s32 v21;
	s9 =	sadd.s32 $0xA1200, s12;
	s10 =	smax.u32 s11, $0x1;
	s13 =	sadd.s32 s25, s14;
	v18 =	vsel vm10, $0x1080, v18  }
0x21: {  	vm12 =	vcmask $0x2F2C;
	[dreg:$0x6] =	wrdreg s22;
	s7 =	sor.u32 s5, s24;
	s14 =	sshrl.u32 s13, $0x7;
	v19 =	vcombine.low v19, v16;
	v16 =	vsel vm11, $0x1100, v18  }
0x22: {  	vm13 =	vcmask $0x3330;
	v20 =	vcombine.low v21, v20;
	s1 =	sshrl.u32 s1, $0x3;
	s24 =	simm.s32 $0x0;
	s29 =	smin.u32 s14, $0x974;
	v18 =	vsel vm12, $0x1180, v16  }
0x23: {  	vm14 =	vcmask $0x3734;
	v17 =	vand.u32 $0xF, v17;
	s8 =	sadd.s32 s8, s1;
	s30 =	sshll.u32 s29, $0x7;
	s1 =	sshll.u32 s29, $0x8;
	v18 =	vsel vm13, $0x1200, v18  }
0x24: {  	vm15 =	vcmask $0x3B38;
	s14 =	simm.s32 $0x80;
	s31 =	ssub.s32 s13, s30;
	s0 =	ssub.s32 s0, s1;
	v16 =	vimm.f32 $0.0e+00;
	v21 =	vsel vm14, $0x1280, v18  }
0x25: {  	s13 =	simm.s32 $0x1;
	s11 =	sadd.s32 $0x70, s31;
	[dreg:$0x5] =	wrdreg s0;
	v18 =	vand.u32 $0xF, v19;
	v19 =	vand.u32 $0xF, v20;
	v20 =	vsel vm15, $0x1300, v21  }
.LBB2_1:
0x26: {  	s0 =	rddreg [dreg:$0x6];
	s31 =	sand.u32 $0x1000, s2;
	s1 =	sand.u32 $0x380, s2  }
0x27: {  	[tilespmem:s2], [sflag:$0x1] =	stream.linear.gather [hbm4b:s0+s2], $0x5000, $0x38;
	[tilespmem:$0xEA00] =	vst v63  }
0x28: {  	s30 =	simm.s32 $0x5000;
	s0 =	sor.u32 s1, s31  }
0x29: {  	[tilespmem:s30], [sflag:$0x1] =	stream.linear.gather [hbm4b:s6+s2], $0x2710, $0x38;
	[tilespmem:$0xEA00] =	vst v63  }
0x2a: {  	[tilespmem:s0+$0xD3F0] =	vst v16  }
0x2b: {  	[tilespmem:s0+$0xC780] =	vst v16  }
0x2c: {  	[tilespmem:s0+$0xC790] =	vst v16  }
0x2d: {  	[tilespmem:s0+$0xC7A0] =	vst v16  }
0x2e: {  	[tilespmem:s0+$0xC7B0] =	vst v16  }
0x2f: {  	[tilespmem:s0+$0xC7C0] =	vst v16  }
0x30: {  	[tilespmem:s0+$0xC7D0] =	vst v16  }
0x31: {  	[tilespmem:s0+$0xC7E0] =	vst v16  }
0x32: {  	[tilespmem:s0+$0xC7F0] =	vst v16  }
0x33: {  	[tilespmem:s0+$0xCB80] =	vst v16  }
0x34: {  	[tilespmem:s0+$0xCB90] =	vst v16  }
0x35: {  	[tilespmem:s0+$0xCBA0] =	vst v16  }
0x36: {  	[tilespmem:s0+$0xCBB0] =	vst v16  }
0x37: {  	[tilespmem:s0+$0xCBC0] =	vst v16  }
0x38: {  	[tilespmem:s0+$0xCBD0] =	vst v16  }
0x39: {  	[tilespmem:s0+$0xCBE0] =	vst v16  }
0x3a: {  	[tilespmem:s0+$0xCBF0] =	vst v16  }
0x3b: {  	[tilespmem:s0+$0xCF80] =	vst v16  }
0x3c: {  	[tilespmem:s0+$0xCF90] =	vst v16  }
0x3d: {  	[tilespmem:s0+$0xCFA0] =	vst v16  }
0x3e: {  	[tilespmem:s0+$0xCFB0] =	vst v16  }
0x3f: {  	[tilespmem:s0+$0xCFC0] =	vst v16  }
0x40: {  	[tilespmem:s0+$0xCFD0] =	vst v16  }
0x41: {  	[tilespmem:s0+$0xCFE0] =	vst v16  }
0x42: {  	[tilespmem:s0+$0xCFF0] =	vst v16  }
0x43: {  	[tilespmem:s0+$0xD380] =	vst v16  }
0x44: {  	[tilespmem:s0+$0xD390] =	vst v16  }
0x45: {  	[tilespmem:s0+$0xD3A0] =	vst v16  }
0x46: {  	[tilespmem:s0+$0xD3B0] =	vst v16  }
0x47: {  	s12 =	simm.s32 $0x200;
	s1 =	simm.s32 $0x80;
	[tilespmem:s0+$0xD3C0] =	vst v16  }
0x48: {  	s15 =	sand.u32 $0x1000, s12;
	s12 =	simm.s32 $0x400;
	s16 =	sand.u32 $0x380, s1;
	[tilespmem:s0+$0xD3D0] =	vst v16  }
.LBB2_2:
0x49: {  	p0 =	sne.s32 s12, $0x1E00;
	[tilespmem:s0+$0xD3E0] =	vst v16;
	s0 =	sor.u32 s16, s15  }
0x4a: {  	[tilespmem:s0+$0xD3F0] =	vst v16  }
0x4b: {  	[tilespmem:s0+$0xC780] =	vst v16  }
0x4c: {  	[tilespmem:s0+$0xC790] =	vst v16  }
0x4d: {  	[tilespmem:s0+$0xC7A0] =	vst v16  }
0x4e: {  	[tilespmem:s0+$0xC7B0] =	vst v16  }
0x4f: {  	[tilespmem:s0+$0xC7C0] =	vst v16  }
0x50: {  	[tilespmem:s0+$0xC7D0] =	vst v16  }
0x51: {  	[tilespmem:s0+$0xC7E0] =	vst v16  }
0x52: {  	[tilespmem:s0+$0xC7F0] =	vst v16  }
0x53: {  	[tilespmem:s0+$0xCB80] =	vst v16  }
0x54: {  	[tilespmem:s0+$0xCB90] =	vst v16  }
0x55: {  	[tilespmem:s0+$0xCBA0] =	vst v16  }
0x56: {  	[tilespmem:s0+$0xCBB0] =	vst v16  }
0x57: {  	[tilespmem:s0+$0xCBC0] =	vst v16  }
0x58: {  	[tilespmem:s0+$0xCBD0] =	vst v16  }
0x59: {  	[tilespmem:s0+$0xCBE0] =	vst v16  }
0x5a: {  	[tilespmem:s0+$0xCBF0] =	vst v16  }
0x5b: {  	[tilespmem:s0+$0xCF80] =	vst v16  }
0x5c: {  	[tilespmem:s0+$0xCF90] =	vst v16  }
0x5d: {  	[tilespmem:s0+$0xCFA0] =	vst v16  }
0x5e: {  	[tilespmem:s0+$0xCFB0] =	vst v16  }
0x5f: {  	[tilespmem:s0+$0xCFC0] =	vst v16  }
0x60: {  	[tilespmem:s0+$0xCFD0] =	vst v16  }
0x61: {  	[tilespmem:s0+$0xCFE0] =	vst v16  }
0x62: {  	[tilespmem:s0+$0xCFF0] =	vst v16  }
0x63: {  	[tilespmem:s0+$0xD380] =	vst v16  }
.Ltmp0:
0x64: {  	[tilespmem:s0+$0xD390] =	vst v16;
	(pc) =	sbr.rel @p0 .LBB2_2-.Ltmp0, $4  }
0x65: {  	[tilespmem:s0+$0xD3A0] =	vst v16  }
0x66: {  	[tilespmem:s0+$0xD3B0] =	vst v16  }
0x67: {  	s1 =	sadd.s32 $0x80, s1;
	[tilespmem:s0+$0xD3C0] =	vst v16  }
0x68: {  	s15 =	sand.u32 $0x1000, s12;
	s12 =	sadd.s32 $0x200, s12;
	s16 =	sand.u32 $0x380, s1;
	[tilespmem:s0+$0xD3D0] =	vst v16  }
0x69: {  	s1 =	sor.u32 s16, s15;
	[tilespmem:s0+$0xD3E0] =	vst v16  }
0x6a: {  	[tilespmem:s1+$0xD3F0] =	vst v16  }
0x6b: {  	[tilespmem:s1+$0xC780] =	vst v16  }
0x6c: {  	[tilespmem:s1+$0xC790] =	vst v16  }
0x6d: {  	[tilespmem:s1+$0xC7A0] =	vst v16  }
0x6e: {  	[tilespmem:s1+$0xC7B0] =	vst v16  }
0x6f: {  	[tilespmem:s1+$0xC7C0] =	vst v16  }
0x70: {  	[tilespmem:s1+$0xC7D0] =	vst v16  }
0x71: {  	[tilespmem:s1+$0xC7E0] =	vst v16  }
0x72: {  	[tilespmem:s1+$0xC7F0] =	vst v16  }
0x73: {  	[tilespmem:s1+$0xCB80] =	vst v16  }
0x74: {  	[tilespmem:s1+$0xCB90] =	vst v16  }
0x75: {  	[tilespmem:s1+$0xCBA0] =	vst v16  }
0x76: {  	[tilespmem:s1+$0xCBB0] =	vst v16  }
0x77: {  	[tilespmem:s1+$0xCBC0] =	vst v16  }
0x78: {  	[tilespmem:s1+$0xCBD0] =	vst v16  }
0x79: {  	[tilespmem:s1+$0xCBE0] =	vst v16  }
0x7a: {  	[tilespmem:s1+$0xCBF0] =	vst v16  }
0x7b: {  	[tilespmem:s1+$0xCF80] =	vst v16  }
0x7c: {  	[tilespmem:s1+$0xCF90] =	vst v16  }
0x7d: {  	[tilespmem:s1+$0xCFA0] =	vst v16  }
0x7e: {  	[tilespmem:s1+$0xCFB0] =	vst v16  }
0x7f: {  	[tilespmem:s1+$0xCFC0] =	vst v16  }
0x80: {  	[tilespmem:s1+$0xCFD0] =	vst v16  }
0x81: {  	[tilespmem:s1+$0xCFE0] =	vst v16  }
0x82: {  	[tilespmem:s1+$0xCFF0] =	vst v16  }
0x83: {  	[tilespmem:s1+$0xD380] =	vst v16  }
0x84: {  	[tilespmem:s1+$0xD390] =	vst v16  }
0x85: {  	[tilespmem:s1+$0xD3A0] =	vst v16  }
0x86: {  	[tilespmem:s1+$0xD3B0] =	vst v16  }
0x87: {  	[tilespmem:s1+$0xD3C0] =	vst v16  }
0x88: {  	[tilespmem:s1+$0xD3D0] =	vst v16  }
0x89: {  	[tilespmem:s1+$0xD3E0] =	vst v16  }
0x8a: {  	_ =	swait.ge [sflag:s13], $0x5000  }
0x8b: {  	[sflag:s13] =	ssyncset.done $0x0  }
0x8c: {  	[sflag:s13] =	ssyncadd.s32 $0xFFFFB000  }
0x8d: {  	_ =	swait.ge [sflag:s13], $0x2710  }
0x8e: {  	s17 =	rddreg [dreg:$0x5];
	[sflag:s13] =	ssyncset.done $0x0  }
0x8f: {  	s0 =	simm.s32 $0x5040;
	[sflag:s13] =	ssyncadd.s32 $0xFFFFD8F0;
	s1 =	sadd.s32 $0x0, s17  }
0x90: {  	s12 =	sand.u32 $0xFFFFFF00, s1;
	v21 =	vld [tilespmem:s0+$0xFFFFFFC0]  }
0x91: {  	s12 =	sor.u32 s12, s5  }
0x92: {  	v22 =	vld [tilespmem:s12+$0x0];
	_ =	sdelay $0x2  }
0x93: {  	v23 =	vshrl.u32 v21, $0x7  }
0x94: {  	v23 =	vmul.u32 $0x140000, v23  }
0x95: {  	v22 =	vshll.u32 v22, $0x7  }
0x96: {  	v21 =	vand.u32 $0x7F, v21;
	v22 =	vadd.s32 v22, v23  }
0x97: {  	s30 =	simm.s32 $0x7780;
	v21 =	vor.u32 v21, v22  }
0x98: {  	s21 =	sadd.s32 $0xFFFFFFA0, s11;
	s18 =	sadd.s32 $0x20, s1;
	[tilespmem:s30+$0x0] =	vst v21  }
0x99: {  	s15 =	sand.u32 $0x70, s21;
	s12 =	sand.u32 $0xFFFFFF00, s18;
	v21 =	vld [tilespmem:s0+$0xFFFFFFD0]  }
0x9a: {  	s12 =	sor.u32 s15, s12  }
0x9b: {  	v22 =	vld [tilespmem:s12+$0x0];
	_ =	sdelay $0x2  }
0x9c: {  	v23 =	vshrl.u32 v21, $0x7  }
0x9d: {  	v23 =	vmul.u32 $0x140000, v23  }
0x9e: {  	v22 =	vshll.u32 v22, $0x7  }
0x9f: {  	v21 =	vand.u32 $0x7F, v21;
	v22 =	vadd.s32 v22, v23  }
0xa0: {  	v21 =	vor.u32 v21, v22  }
0xa1: {  	s25 =	sadd.s32 $0xFFFFFFB0, s11;
	s22 =	sadd.s32 $0x40, s1;
	[tilespmem:s30+$0x10] =	vst v21  }
0xa2: {  	s15 =	sand.u32 $0x70, s25;
	s12 =	sand.u32 $0xFFFFFF00, s22;
	v21 =	vld [tilespmem:s0+$0xFFFFFFE0]  }
0xa3: {  	s12 =	sor.u32 s15, s12  }
0xa4: {  	v22 =	vld [tilespmem:s12+$0x0];
	_ =	sdelay $0x2  }
0xa5: {  	v23 =	vshrl.u32 v21, $0x7  }
0xa6: {  	v23 =	vmul.u32 $0x140000, v23  }
0xa7: {  	v22 =	vshll.u32 v22, $0x7  }
0xa8: {  	v21 =	vand.u32 $0x7F, v21;
	v22 =	vadd.s32 v22, v23  }
0xa9: {  	v21 =	vor.u32 v21, v22  }
0xaa: {  	s4 =	sadd.s32 $0xFFFFFFC0, s11;
	s26 =	sadd.s32 $0x60, s1;
	[tilespmem:s30+$0x20] =	vst v21  }
0xab: {  	s15 =	sand.u32 $0x70, s4;
	s12 =	sand.u32 $0xFFFFFF00, s26;
	v21 =	vld [tilespmem:s0+$0xFFFFFFF0]  }
0xac: {  	s12 =	sor.u32 s15, s12  }
0xad: {  	v22 =	vld [tilespmem:s12+$0x0];
	_ =	sdelay $0x2  }
0xae: {  	v23 =	vshrl.u32 v21, $0x7  }
0xaf: {  	v23 =	vmul.u32 $0x140000, v23  }
0xb0: {  	v22 =	vshll.u32 v22, $0x7  }
0xb1: {  	v21 =	vand.u32 $0x7F, v21;
	v22 =	vadd.s32 v22, v23  }
0xb2: {  	v21 =	vor.u32 v21, v22  }
0xb3: {  	s17 =	sadd.s32 $0xFFFFFFD0, s11;
	s16 =	sadd.s32 $0x80, s1;
	[tilespmem:s30+$0x30] =	vst v21  }
0xb4: {  	s15 =	sand.u32 $0x70, s17;
	s12 =	sand.u32 $0xFFFFFF00, s16;
	v21 =	vld [tilespmem:s0+$0x0]  }
0xb5: {  	s12 =	sor.u32 s15, s12  }
0xb6: {  	v22 =	vld [tilespmem:s12+$0x0];
	_ =	sdelay $0x2  }
0xb7: {  	v23 =	vshrl.u32 v21, $0x7  }
0xb8: {  	v23 =	vmul.u32 $0x140000, v23  }
0xb9: {  	v22 =	vshll.u32 v22, $0x7  }
0xba: {  	v21 =	vand.u32 $0x7F, v21;
	v22 =	vadd.s32 v22, v23  }
0xbb: {  	v21 =	vor.u32 v21, v22  }
0xbc: {  	s21 =	sadd.s32 $0xFFFFFFE0, s11;
	s18 =	sadd.s32 $0xA0, s1;
	[tilespmem:s30+$0x40] =	vst v21  }
0xbd: {  	s15 =	sand.u32 $0x70, s21;
	s12 =	sand.u32 $0xFFFFFF00, s18;
	v21 =	vld [tilespmem:s0+$0x10]  }
0xbe: {  	s12 =	sor.u32 s15, s12  }
0xbf: {  	v22 =	vld [tilespmem:s12+$0x0];
	_ =	sdelay $0x2  }
0xc0: {  	v23 =	vshrl.u32 v21, $0x7  }
0xc1: {  	v23 =	vmul.u32 $0x140000, v23  }
0xc2: {  	v22 =	vshll.u32 v22, $0x7  }
0xc3: {  	v21 =	vand.u32 $0x7F, v21;
	v22 =	vadd.s32 v22, v23  }
0xc4: {  	v21 =	vor.u32 v21, v22  }
0xc5: {  	s25 =	sadd.s32 $0xFFFFFFF0, s11;
	s22 =	sadd.s32 $0xC0, s1;
	[tilespmem:s30+$0x50] =	vst v21  }
0xc6: {  	s15 =	sand.u32 $0x70, s25;
	s12 =	sand.u32 $0xFFFFFF00, s22;
	v21 =	vld [tilespmem:s0+$0x20]  }
0xc7: {  	s12 =	sor.u32 s15, s12  }
0xc8: {  	v22 =	vld [tilespmem:s12+$0x0];
	_ =	sdelay $0x2  }
0xc9: {  	v23 =	vshrl.u32 v21, $0x7  }
0xca: {  	v23 =	vmul.u32 $0x140000, v23  }
0xcb: {  	v22 =	vshll.u32 v22, $0x7  }
0xcc: {  	v21 =	vand.u32 $0x7F, v21;
	v22 =	vadd.s32 v22, v23  }
0xcd: {  	s1 =	sadd.s32 $0xE0, s1;
	v21 =	vor.u32 v21, v22  }
0xce: {  	s1 =	sand.u32 $0xFFFFFF00, s1;
	s26 =	sand.u32 $0x70, s11;
	[tilespmem:s30+$0x60] =	vst v21  }
0xcf: {  	s1 =	sor.u32 s26, s1;
	v21 =	vld [tilespmem:s0+$0x30]  }
0xd0: {  	v23 =	vld [tilespmem:s1+$0x0];
	_ =	sdelay $0x2  }
0xd1: {  	s31 =	simm.s32 $0x100;
	s29 =	sadd.s32 $0x80, s11  }
0xd2: {  	s28 =	simm.s32 $0x50C0;
	s26 =	simm.s32 $0x7800;
	s25 =	simm.s32 $0x9F80;
	v22 =	vshrl.u32 v21, $0x7  }
0xd3: {  	s15 =	rddreg [dreg:$0x5];
	s12 =	simm.s32 $0x200;
	s0 =	simm.s32 $0x9F80;
	v21 =	vand.u32 $0x7F, v21;
	v23 =	vshll.u32 v23, $0x7;
	v22 =	vmul.u32 $0x140000, v22  }
.LBB2_4:
0xd4: {  	_ = 	snop  }
0xd5: {  	v22 =	vadd.s32 v23, v22  }
0xd6: {  	v21 =	vor.u32 v21, v22  }
0xd7: {  	s15 =	sadd.s32 s31, s15;
	[tilespmem:s30+$0x70] =	vst v21  }
0xd8: {  	[tilespmem:s0], [sflag:$0x1] =	stream.indirect.gather [hbm4b:s3+s14], $0x1, s30, s14, $0xb8;
	[tilespmem:$0xEA00] =	vst v63  }
0xd9: {  	s16 =	sand.u32 $0xFFFFFF00, s15;
	v21 =	vld [tilespmem:s28+$0xFFFFFFC0]  }
0xda: {  	s22 =	sor.u32 s16, s5  }
0xdb: {  	v22 =	vld [tilespmem:s22+$0x0];
	_ =	sdelay $0x2  }
0xdc: {  	v23 =	vshrl.u32 v21, $0x7  }
0xdd: {  	s31 =	smov.u32 s12;
	s1 =	sadd.s32 $0x100, s12;
	v23 =	vmul.u32 $0x140000, v23  }
0xde: {  	p0 =	sne.s32 s12, $0x4D00;
	s17 =	sadd.s32 $0x20, s15;
	s18 =	sadd.s32 $0x40, s15;
	v22 =	vshll.u32 v22, $0x7  }
0xdf: {  	s12 =	sadd.s32 $0xC0, s15;
	s4 =	sand.u32 $0xFFFFFF00, s17;
	s16 =	sadd.s32 $0x60, s15;
	v21 =	vand.u32 $0x7F, v21;
	v22 =	vadd.s32 v22, v23  }
0xe0: {  	s17 =	sadd.s32 $0x80, s15;
	s30 =	sadd.s32 $0xA0, s15;
	s22 =	sadd.s32 $0xE0, s15;
	v21 =	vor.u32 v21, v22  }
0xe1: {  	s15 =	sand.u32 $0xFFFFFF00, s12;
	s12 =	sand.u32 $0xFFFFFF00, s22;
	s22 =	sadd.s32 $0xFFFFFFA0, s29;
	[tilespmem:s26+$0x0] =	vst v21  }
0xe2: {  	s22 =	sand.u32 $0x70, s22;
	v21 =	vld [tilespmem:s28+$0xFFFFFFD0]  }
0xe3: {  	s4 =	sor.u32 s22, s4  }
0xe4: {  	v22 =	vld [tilespmem:s4+$0x0];
	_ =	sdelay $0x2  }
0xe5: {  	v23 =	vshrl.u32 v21, $0x7  }
0xe6: {  	v23 =	vmul.u32 $0x140000, v23  }
0xe7: {  	v22 =	vshll.u32 v22, $0x7  }
0xe8: {  	v21 =	vand.u32 $0x7F, v21;
	v22 =	vadd.s32 v22, v23  }
0xe9: {  	v21 =	vor.u32 v21, v22  }
0xea: {  	s22 =	sadd.s32 $0xFFFFFFB0, s29;
	[tilespmem:s26+$0x10] =	vst v21  }
0xeb: {  	s21 =	sand.u32 $0xFFFFFF00, s18;
	s4 =	sand.u32 $0x70, s22;
	v21 =	vld [tilespmem:s28+$0xFFFFFFE0]  }
0xec: {  	s4 =	sor.u32 s4, s21  }
0xed: {  	v22 =	vld [tilespmem:s4+$0x0];
	_ =	sdelay $0x2  }
0xee: {  	v23 =	vshrl.u32 v21, $0x7  }
0xef: {  	v23 =	vmul.u32 $0x140000, v23  }
0xf0: {  	v22 =	vshll.u32 v22, $0x7  }
0xf1: {  	v21 =	vand.u32 $0x7F, v21;
	v22 =	vadd.s32 v22, v23  }
0xf2: {  	v21 =	vor.u32 v21, v22  }
0xf3: {  	s21 =	sadd.s32 $0xFFFFFFC0, s29;
	[tilespmem:s26+$0x20] =	vst v21  }
0xf4: {  	s18 =	sand.u32 $0xFFFFFF00, s16;
	s4 =	sand.u32 $0x70, s21;
	v21 =	vld [tilespmem:s28+$0xFFFFFFF0]  }
0xf5: {  	s4 =	sor.u32 s4, s18  }
0xf6: {  	v22 =	vld [tilespmem:s4+$0x0];
	_ =	sdelay $0x2  }
0xf7: {  	v23 =	vshrl.u32 v21, $0x7  }
0xf8: {  	v23 =	vmul.u32 $0x140000, v23  }
0xf9: {  	v22 =	vshll.u32 v22, $0x7  }
0xfa: {  	v21 =	vand.u32 $0x7F, v21;
	v22 =	vadd.s32 v22, v23  }
0xfb: {  	v21 =	vor.u32 v21, v22  }
0xfc: {  	s22 =	sadd.s32 $0xFFFFFFD0, s29;
	[tilespmem:s26+$0x30] =	vst v21  }
0xfd: {  	s17 =	sand.u32 $0xFFFFFF00, s17;
	s4 =	sand.u32 $0x70, s22;
	v21 =	vld [tilespmem:s28+$0x0]  }
0xfe: {  	s4 =	sor.u32 s4, s17  }
0xff: {  	v22 =	vld [tilespmem:s4+$0x0];
	_ =	sdelay $0x2  }
0x100: {  	v23 =	vshrl.u32 v21, $0x7  }
0x101: {  	v23 =	vmul.u32 $0x140000, v23  }
0x102: {  	v22 =	vshll.u32 v22, $0x7  }
0x103: {  	v21 =	vand.u32 $0x7F, v21;
	v22 =	vadd.s32 v22, v23  }
0x104: {  	v21 =	vor.u32 v21, v22  }
0x105: {  	s18 =	sadd.s32 $0xFFFFFFE0, s29;
	[tilespmem:s26+$0x40] =	vst v21  }
0x106: {  	s16 =	sand.u32 $0xFFFFFF00, s30;
	s4 =	sand.u32 $0x70, s18;
	v21 =	vld [tilespmem:s28+$0x10]  }
0x107: {  	s4 =	sor.u32 s4, s16  }
0x108: {  	v22 =	vld [tilespmem:s4+$0x0];
	_ =	sdelay $0x2  }
0x109: {  	v23 =	vshrl.u32 v21, $0x7  }
0x10a: {  	v23 =	vmul.u32 $0x140000, v23  }
0x10b: {  	v22 =	vshll.u32 v22, $0x7  }
0x10c: {  	v21 =	vand.u32 $0x7F, v21;
	v22 =	vadd.s32 v22, v23  }
0x10d: {  	v21 =	vor.u32 v21, v22  }
0x10e: {  	s21 =	sadd.s32 $0xFFFFFFF0, s29;
	[tilespmem:s26+$0x50] =	vst v21  }
0x10f: {  	s4 =	sand.u32 $0x70, s21;
	v21 =	vld [tilespmem:s28+$0x20]  }
0x110: {  	s4 =	sor.u32 s4, s15  }
0x111: {  	v22 =	vld [tilespmem:s4+$0x0];
	_ =	sdelay $0x2  }
0x112: {  	v23 =	vshrl.u32 v21, $0x7  }
0x113: {  	v23 =	vmul.u32 $0x140000, v23  }
0x114: {  	v22 =	vshll.u32 v22, $0x7  }
0x115: {  	v21 =	vand.u32 $0x7F, v21;
	v22 =	vadd.s32 v22, v23  }
0x116: {  	v21 =	vor.u32 v21, v22  }
0x117: {  	s22 =	sand.u32 $0x70, s29;
	[tilespmem:s26+$0x60] =	vst v21  }
0x118: {  	s4 =	sor.u32 s22, s12;
	v21 =	vld [tilespmem:s28+$0x30]  }
0x119: {  	v23 =	vld [tilespmem:s4+$0x0]  }
.Ltmp1:
0x11a: {  	_ = 	snop;
	(pc) =	sbr.rel @p0 .LBB2_4-.Ltmp1, $4  }
0x11b: {  	s25 =	sadd.s32 $0x80, s25  }
0x11c: {  	s0 =	smov.u32 s25  }
0x11d: {  	s30 =	smov.u32 s26;
	s29 =	sadd.s32 $0x80, s29;
	s15 =	rddreg [dreg:$0x5];
	v22 =	vshrl.u32 v21, $0x7  }
0x11e: {  	s12 =	smov.u32 s1;
	s26 =	sadd.s32 $0x80, s26;
	s28 =	sadd.s32 $0x80, s28;
	v21 =	vand.u32 $0x7F, v21;
	v23 =	vshll.u32 v23, $0x7;
	v22 =	vmul.u32 $0x140000, v22  }
0x11f: {  	_ = 	snop  }
0x120: {  	v22 =	vadd.s32 v23, v22  }
0x121: {  	v21 =	vor.u32 v21, v22  }
0x122: {  	s1 =	sadd.s32 s31, s15;
	[tilespmem:s30+$0x70] =	vst v21  }
0x123: {  	[tilespmem:s0], [sflag:$0x1] =	stream.indirect.gather [hbm4b:s3+s14], $0x1, s30, s14, $0xb8;
	[tilespmem:$0xEA00] =	vst v63  }
0x124: {  	s17 =	sand.u32 $0xFFFFFF00, s1;
	v21 =	vld [tilespmem:s28+$0xFFFFFFC0]  }
0x125: {  	s0 =	sor.u32 s17, s5  }
0x126: {  	v22 =	vld [tilespmem:s0+$0x0];
	_ =	sdelay $0x2  }
0x127: {  	v23 =	vshrl.u32 v21, $0x7  }
0x128: {  	v23 =	vmul.u32 $0x140000, v23  }
0x129: {  	v22 =	vshll.u32 v22, $0x7  }
0x12a: {  	v21 =	vand.u32 $0x7F, v21;
	v22 =	vadd.s32 v22, v23  }
0x12b: {  	v21 =	vor.u32 v21, v22  }
0x12c: {  	s4 =	sadd.s32 $0xFFFFFFA0, s29;
	s18 =	sadd.s32 $0x20, s1;
	[tilespmem:s26+$0x0] =	vst v21  }
0x12d: {  	s4 =	sand.u32 $0x70, s4;
	s0 =	sand.u32 $0xFFFFFF00, s18;
	v21 =	vld [tilespmem:s28+$0xFFFFFFD0]  }
0x12e: {  	s0 =	sor.u32 s4, s0  }
0x12f: {  	v22 =	vld [tilespmem:s0+$0x0];
	_ =	sdelay $0x2  }
0x130: {  	v23 =	vshrl.u32 v21, $0x7  }
0x131: {  	v23 =	vmul.u32 $0x140000, v23  }
0x132: {  	v22 =	vshll.u32 v22, $0x7  }
0x133: {  	v21 =	vand.u32 $0x7F, v21;
	v22 =	vadd.s32 v22, v23  }
0x134: {  	v21 =	vor.u32 v21, v22  }
0x135: {  	s22 =	sadd.s32 $0xFFFFFFB0, s29;
	s21 =	sadd.s32 $0x40, s1;
	[tilespmem:s26+$0x10] =	vst v21  }
0x136: {  	s4 =	sand.u32 $0x70, s22;
	s0 =	sand.u32 $0xFFFFFF00, s21;
	v21 =	vld [tilespmem:s28+$0xFFFFFFE0]  }
0x137: {  	s0 =	sor.u32 s4, s0  }
0x138: {  	v22 =	vld [tilespmem:s0+$0x0];
	_ =	sdelay $0x2  }
0x139: {  	v23 =	vshrl.u32 v21, $0x7  }
0x13a: {  	v23 =	vmul.u32 $0x140000, v23  }
0x13b: {  	v22 =	vshll.u32 v22, $0x7  }
0x13c: {  	v21 =	vand.u32 $0x7F, v21;
	v22 =	vadd.s32 v22, v23  }
0x13d: {  	v21 =	vor.u32 v21, v22  }
0x13e: {  	s31 =	sadd.s32 $0xFFFFFFC0, s29;
	s30 =	sadd.s32 $0x60, s1;
	[tilespmem:s26+$0x20] =	vst v21  }
0x13f: {  	s4 =	sand.u32 $0x70, s31;
	s0 =	sand.u32 $0xFFFFFF00, s30;
	v21 =	vld [tilespmem:s28+$0xFFFFFFF0]  }
0x140: {  	s0 =	sor.u32 s4, s0  }
0x141: {  	v22 =	vld [tilespmem:s0+$0x0];
	_ =	sdelay $0x2  }
0x142: {  	v23 =	vshrl.u32 v21, $0x7  }
0x143: {  	v23 =	vmul.u32 $0x140000, v23  }
0x144: {  	v22 =	vshll.u32 v22, $0x7  }
0x145: {  	v21 =	vand.u32 $0x7F, v21;
	v22 =	vadd.s32 v22, v23  }
0x146: {  	v21 =	vor.u32 v21, v22  }
0x147: {  	s12 =	sadd.s32 $0xFFFFFFD0, s29;
	s4 =	sadd.s32 $0x80, s1;
	[tilespmem:s26+$0x30] =	vst v21  }
0x148: {  	s0 =	sand.u32 $0xFFFFFF00, s4;
	s4 =	sand.u32 $0x70, s12;
	v21 =	vld [tilespmem:s28+$0x0]  }
0x149: {  	s0 =	sor.u32 s4, s0  }
0x14a: {  	v22 =	vld [tilespmem:s0+$0x0];
	_ =	sdelay $0x2  }
0x14b: {  	v23 =	vshrl.u32 v21, $0x7  }
0x14c: {  	v23 =	vmul.u32 $0x140000, v23  }
0x14d: {  	v22 =	vshll.u32 v22, $0x7  }
0x14e: {  	v21 =	vand.u32 $0x7F, v21;
	v22 =	vadd.s32 v22, v23  }
0x14f: {  	v21 =	vor.u32 v21, v22  }
0x150: {  	s16 =	sadd.s32 $0xFFFFFFE0, s29;
	s15 =	sadd.s32 $0xA0, s1;
	[tilespmem:s26+$0x40] =	vst v21  }
0x151: {  	s4 =	sand.u32 $0x70, s16;
	s0 =	sand.u32 $0xFFFFFF00, s15;
	v21 =	vld [tilespmem:s28+$0x10]  }
0x152: {  	s0 =	sor.u32 s4, s0  }
0x153: {  	v22 =	vld [tilespmem:s0+$0x0];
	_ =	sdelay $0x2  }
0x154: {  	v23 =	vshrl.u32 v21, $0x7  }
0x155: {  	v23 =	vmul.u32 $0x140000, v23  }
0x156: {  	v22 =	vshll.u32 v22, $0x7  }
0x157: {  	v21 =	vand.u32 $0x7F, v21;
	v22 =	vadd.s32 v22, v23  }
0x158: {  	v21 =	vor.u32 v21, v22  }
0x159: {  	s17 =	sadd.s32 $0xC0, s1;
	s18 =	sadd.s32 $0xFFFFFFF0, s29;
	[tilespmem:s26+$0x50] =	vst v21  }
0x15a: {  	s4 =	sand.u32 $0x70, s18;
	s0 =	sand.u32 $0xFFFFFF00, s17;
	v21 =	vld [tilespmem:s28+$0x20]  }
0x15b: {  	s0 =	sor.u32 s4, s0  }
0x15c: {  	v22 =	vld [tilespmem:s0+$0x0];
	_ =	sdelay $0x2  }
0x15d: {  	v23 =	vshrl.u32 v21, $0x7  }
0x15e: {  	v23 =	vmul.u32 $0x140000, v23  }
0x15f: {  	v22 =	vshll.u32 v22, $0x7  }
0x160: {  	v21 =	vand.u32 $0x7F, v21;
	v22 =	vadd.s32 v22, v23  }
0x161: {  	v21 =	vor.u32 v21, v22  }
0x162: {  	s21 =	sadd.s32 $0xE0, s1;
	[tilespmem:s26+$0x60] =	vst v21  }
0x163: {  	s22 =	sand.u32 $0x70, s29;
	s0 =	sand.u32 $0xFFFFFF00, s21;
	v21 =	vld [tilespmem:s28+$0x30]  }
0x164: {  	s0 =	sor.u32 s22, s0  }
0x165: {  	v22 =	vld [tilespmem:s0+$0x0];
	_ =	sdelay $0x2  }
0x166: {  	v23 =	vshrl.u32 v21, $0x7  }
0x167: {  	v23 =	vmul.u32 $0x140000, v23  }
0x168: {  	v22 =	vshll.u32 v22, $0x7  }
0x169: {  	v21 =	vand.u32 $0x7F, v21;
	v22 =	vadd.s32 v22, v23  }
0x16a: {  	v21 =	vor.u32 v21, v22  }
0x16b: {  	s25 =	sadd.s32 $0x80, s25;
	[tilespmem:s26+$0x70] =	vst v21  }
0x16c: {  	[tilespmem:s25], [sflag:$0x1] =	stream.indirect.gather [hbm4b:s3+s14], $0x1, s26, s14, $0xb8;
	[tilespmem:$0xEA00] =	vst v63  }
0x16d: {  	v22 =	vld [tilespmem:s7+$0x4E00];
	[tilespmem:$0x9E90] =	vst v0  }
0x16e: {  	[tilespmem:$0x9F10] =	vst v1  }
0x16f: {  	[tilespmem:$0x9EA0] =	vst v2  }
0x170: {  	[tilespmem:$0x9F20] =	vst v3  }
0x171: {  	[tilespmem:$0x9EB0] =	vst v4  }
0x172: {  	v21 =	vld [tilespmem:$0x7700];
	[tilespmem:$0x9F30] =	vst v5  }
0x173: {  	[tilespmem:$0x9EC0] =	vst v6  }
0x174: {  	[tilespmem:$0x9F40] =	vst v7  }
0x175: {  	[tilespmem:$0x9ED0] =	vst v8  }
0x176: {  	[tilespmem:$0x9F50] =	vst v9  }
0x177: {  	[tilespmem:$0x9EE0] =	vst v10;
	v23 =	vshrl.u32 v21, $0x7  }
0x178: {  	[tilespmem:$0x9F60] =	vst v11;
	v23 =	vmul.u32 $0x140000, v23  }
0x179: {  	[tilespmem:$0x9EF0] =	vst v12;
	v22 =	vshll.u32 v22, $0x7  }
0x17a: {  	[tilespmem:$0x9F70] =	vst v13;
	v21 =	vand.u32 $0x7F, v21;
	v22 =	vadd.s32 v22, v23  }
0x17b: {  	[tilespmem:$0x9F00] =	vst v14;
	v21 =	vor.u32 v21, v22  }
0x17c: {  	s29 =	simm.s32 $0xC680;
	s28 =	simm.s32 $0x9E80;
	[tilespmem:$0x9E80] =	vst v21  }
0x17d: {  	[tilespmem:s29], [sflag:$0x1] =	stream.indirect.gather [hbm4b:s3+s14], $0x1, s28, s14, $0xb8;
	[tilespmem:$0xEA00] =	vst v63  }
0x17e: {  	s31 =	simm.s32 $0xC700;
	s30 =	simm.s32 $0x9F00;
	s0 =	simm.s32 $0x50  }
0x17f: {  	[tilespmem:s31], [sflag:$0x1] =	stream.indirect.gather [hbm4b:s3+s14], $0x1, s30, s14, $0xb8;
	[tilespmem:$0xEA00] =	vst v63  }
.LBB2_6:
0x180: {  	p0 =	sne.s32 s0, $0x1  }
.Ltmp2:
0x181: {  	_ = 	snop;
	(pc) =	sbr.rel @p0 .LBB2_6-.Ltmp2, $4  }
0x182: {  	_ = 	snop  }
0x183: {  	_ =	swait.ge [sflag:s13], $0x80  }
0x184: {  	[sflag:s13] =	ssyncset.done $0x0  }
0x185: {  	s0 =	sadd.s32 $0xFFFFFFFF, s0;
	[sflag:s13] =	ssyncadd.s32 $0xFFFFFF80  }
0x186: {  	s4 =	simm.s32 $0x0  }
0x187: {  	v23 =	vld [tilespmem:s4+$0x9F80]  }
0x188: {  	v24 =	vld [tilespmem:s4+$0x9F90]  }
0x189: {  	v25 =	vld [tilespmem:s4+$0x9FA0]  }
0x18a: {  	v21 =	vld [tilespmem:s4+$0x9FB0]  }
0x18b: {  	v26 =	vimm.f32 $-Inf;
	v22 =	vld [tilespmem:s4+$0x9FC0]  }
0x18c: {  	v26 =	vmax.f32 v26, v23;
	v23 =	vld [tilespmem:s4+$0x9FD0]  }
0x18d: {  	v26 =	vmax.f32 v26, v24;
	v24 =	vld [tilespmem:s4+$0x9FE0]  }
0x18e: {  	s0 =	simm.s32 $0x80;
	s1 =	simm.s32 $0x400;
	v26 =	vmax.f32 v26, v25;
	v25 =	vld [tilespmem:s4+$0x9FF0]  }
.LBB2_8:
0x18f: {  	p0 =	sne.s32 s1, $0x9A00;
	v27 =	vld [tilespmem:s0+$0x9F80];
	v21 =	vmax.f32 v26, v21  }
0x190: {  	v26 =	vld [tilespmem:s0+$0x9F90];
	v21 =	vmax.f32 v21, v22  }
0x191: {  	v28 =	vld [tilespmem:s0+$0x9FA0];
	v22 =	vmax.f32 v21, v23  }
.Ltmp3:
0x192: {  	v21 =	vld [tilespmem:s0+$0x9FB0];
	v23 =	vmax.f32 v22, v24;
	(pc) =	sbr.rel @p0 .LBB2_8-.Ltmp3, $4  }
0x193: {  	v22 =	vld [tilespmem:s0+$0x9FC0];
	v23 =	vmax.f32 v23, v25  }
0x194: {  	v24 =	vmax.f32 v23, v27;
	v23 =	vld [tilespmem:s0+$0x9FD0]  }
0x195: {  	v25 =	vmax.f32 v24, v26;
	v24 =	vld [tilespmem:s0+$0x9FE0]  }
0x196: {  	v26 =	vmax.f32 v25, v28;
	v25 =	vld [tilespmem:s0+$0x9FF0];
	s0 =	sshra.s32 s1, $0x2;
	s1 =	sadd.s32 $0x200, s1  }
0x197: {  	v27 =	vld [tilespmem:s0+$0x9F80];
	v21 =	vmax.f32 v26, v21  }
0x198: {  	v60 =	vld [tilespmem:s0+$0x9F90];
	v21 =	vmax.f32 v21, v22  }
0x199: {  	v22 =	vld [tilespmem:s0+$0x9FA0];
	v21 =	vmax.f32 v21, v23  }
0x19a: {  	v23 =	vld [tilespmem:s0+$0x9FB0];
	v21 =	vmax.f32 v21, v24  }
0x19b: {  	v61 =	vld [tilespmem:s0+$0x9FC0];
	v21 =	vmax.f32 v21, v25  }
0x19c: {  	v62 =	vld [tilespmem:s0+$0x9FD0];
	v21 =	vmax.f32 v21, v27  }
0x19d: {  	v63 =	vld [tilespmem:s0+$0x9FE0];
	v21 =	vmax.f32 v21, v60  }
0x19e: {  	v21 =	vmax.f32 v21, v22;
	v22 =	vld [tilespmem:s0+$0x9FF0]  }
0x19f: {  	v21 =	vmax.f32 v21, v23;
	v23 =	vld [tilespmem:$0xC680]  }
0x1a0: {  	v21 =	vmax.f32 v21, v61  }
0x1a1: {  	v21 =	vmax.f32 v21, v62  }
0x1a2: {  	v21 =	vmax.f32 v21, v63  }
0x1a3: {  	v21 =	vmax.f32 v21, v22  }
0x1a4: {  	v21 =	vmax.f32 v21, v23  }
0x1a5: {  	[tilespmem:$0xE980] =	vst v21  }
0x1a6: {  	v22 =	vld.idx.msk [tilespmem:v15+s19+$0x0], $0xffff;
	_ =	sdelay $0x4  }
0x1a7: {  	v21 =	vmax.f32 v21, v22  }
0x1a8: {  	[tilespmem:$0xE980] =	vst v21  }
0x1a9: {  	v22 =	vld.idx.msk [tilespmem:v17+s19+$0x0], $0xffff;
	_ =	sdelay $0x4  }
0x1aa: {  	v21 =	vmax.f32 v21, v22  }
0x1ab: {  	[tilespmem:$0xE980] =	vst v21  }
0x1ac: {  	v22 =	vld.idx.msk [tilespmem:v18+s19+$0x0], $0xffff;
	_ =	sdelay $0x4  }
0x1ad: {  	v21 =	vmax.f32 v21, v22  }
0x1ae: {  	[tilespmem:$0xE980] =	vst v21  }
0x1af: {  	s31 =	simm.s32 $0x0;
	v22 =	vld.idx.msk [tilespmem:v19+s19+$0x0], $0xffff  }
0x1b0: {  	v23 =	vld [tilespmem:s31+$0x9F80];
	_ =	sdelay $0x3  }
0x1b1: {  	v21 =	vmax.f32 v21, v22  }
0x1b2: {  	v22 =	vsub.f32 v23, v21  }
0x1b3: {  	v23 =	vld [tilespmem:s31+$0x5000]  }
0x1b4: {  	v22 =	vmul.f32 $1.442695020e+00, v22;
	_ =	sdelay $0x1  }
0x1b5: {  	(erf) = vpow2.f32 v22;
	_ =	sdelay $0x1  }
0x1b6: {  	v22 =	vshll.u32 v23, $0x3  }
0x1b7: {  	v23 =	vand.u32 $0x7F, v23;
	v22 =	vand.u32 $0xFFFFFC00, v22  }
0x1b8: {  	v22 =	vor.u32 v23, v22  }
0x1b9: {  	v22 =	vadd.s32 v20, v22;
	_ =	sdelay $0x3  }
0x1ba: {  	v23 =	vpop (erf)  }
0x1bb: {  	[tilespmem:v22+s20+$0x0] =	vst.idx.add.f32.msk $0xffff, v23  }
0x1bc: {  	v22 =	vld [tilespmem:s31+$0x9F90];
	_ =	sdelay $0x4  }
0x1bd: {  	v22 =	vsub.f32 v22, v21  }
0x1be: {  	v23 =	vld [tilespmem:s31+$0x5010]  }
0x1bf: {  	v22 =	vmul.f32 $1.442695020e+00, v22;
	_ =	sdelay $0x1  }
0x1c0: {  	(erf) = vpow2.f32 v22;
	_ =	sdelay $0x1  }
0x1c1: {  	v22 =	vshll.u32 v23, $0x3  }
0x1c2: {  	v23 =	vand.u32 $0x7F, v23;
	v22 =	vand.u32 $0xFFFFFC00, v22  }
0x1c3: {  	v22 =	vor.u32 v23, v22  }
0x1c4: {  	v22 =	vadd.s32 v20, v22;
	_ =	sdelay $0x3  }
0x1c5: {  	v23 =	vpop (erf)  }
0x1c6: {  	[tilespmem:v22+s20+$0x0] =	vst.idx.add.f32.msk $0xffff, v23  }
0x1c7: {  	v22 =	vld [tilespmem:s31+$0x9FA0];
	_ =	sdelay $0x4  }
0x1c8: {  	v22 =	vsub.f32 v22, v21  }
0x1c9: {  	v23 =	vld [tilespmem:s31+$0x5020]  }
0x1ca: {  	v22 =	vmul.f32 $1.442695020e+00, v22;
	_ =	sdelay $0x1  }
0x1cb: {  	(erf) = vpow2.f32 v22;
	_ =	sdelay $0x1  }
0x1cc: {  	v22 =	vshll.u32 v23, $0x3  }
0x1cd: {  	v23 =	vand.u32 $0x7F, v23;
	v22 =	vand.u32 $0xFFFFFC00, v22  }
0x1ce: {  	v22 =	vor.u32 v23, v22  }
0x1cf: {  	v22 =	vadd.s32 v20, v22;
	_ =	sdelay $0x3  }
0x1d0: {  	v23 =	vpop (erf)  }
0x1d1: {  	[tilespmem:v22+s20+$0x0] =	vst.idx.add.f32.msk $0xffff, v23  }
0x1d2: {  	v22 =	vld [tilespmem:s31+$0x9FB0];
	_ =	sdelay $0x4  }
0x1d3: {  	v22 =	vsub.f32 v22, v21  }
0x1d4: {  	v23 =	vld [tilespmem:s31+$0x5030]  }
0x1d5: {  	v22 =	vmul.f32 $1.442695020e+00, v22;
	_ =	sdelay $0x1  }
0x1d6: {  	(erf) = vpow2.f32 v22;
	_ =	sdelay $0x1  }
0x1d7: {  	v22 =	vshll.u32 v23, $0x3  }
0x1d8: {  	v23 =	vand.u32 $0x7F, v23;
	v22 =	vand.u32 $0xFFFFFC00, v22  }
0x1d9: {  	v22 =	vor.u32 v23, v22  }
0x1da: {  	v22 =	vadd.s32 v20, v22;
	_ =	sdelay $0x3  }
0x1db: {  	v23 =	vpop (erf)  }
0x1dc: {  	[tilespmem:v22+s20+$0x0] =	vst.idx.add.f32.msk $0xffff, v23  }
0x1dd: {  	v22 =	vld [tilespmem:s31+$0x9FC0];
	_ =	sdelay $0x4  }
0x1de: {  	v22 =	vsub.f32 v22, v21  }
0x1df: {  	v23 =	vld [tilespmem:s31+$0x5040]  }
0x1e0: {  	v22 =	vmul.f32 $1.442695020e+00, v22;
	_ =	sdelay $0x1  }
0x1e1: {  	(erf) = vpow2.f32 v22;
	_ =	sdelay $0x1  }
0x1e2: {  	v22 =	vshll.u32 v23, $0x3  }
0x1e3: {  	v23 =	vand.u32 $0x7F, v23;
	v22 =	vand.u32 $0xFFFFFC00, v22  }
0x1e4: {  	v22 =	vor.u32 v23, v22  }
0x1e5: {  	v22 =	vadd.s32 v20, v22;
	_ =	sdelay $0x3  }
0x1e6: {  	v23 =	vpop (erf)  }
0x1e7: {  	[tilespmem:v22+s20+$0x0] =	vst.idx.add.f32.msk $0xffff, v23  }
0x1e8: {  	v22 =	vld [tilespmem:s31+$0x9FD0];
	_ =	sdelay $0x4  }
0x1e9: {  	v22 =	vsub.f32 v22, v21  }
0x1ea: {  	v23 =	vld [tilespmem:s31+$0x5050]  }
0x1eb: {  	v22 =	vmul.f32 $1.442695020e+00, v22;
	_ =	sdelay $0x1  }
0x1ec: {  	(erf) = vpow2.f32 v22;
	_ =	sdelay $0x1  }
0x1ed: {  	v22 =	vshll.u32 v23, $0x3  }
0x1ee: {  	v23 =	vand.u32 $0x7F, v23;
	v22 =	vand.u32 $0xFFFFFC00, v22  }
0x1ef: {  	v22 =	vor.u32 v23, v22  }
0x1f0: {  	v22 =	vadd.s32 v20, v22;
	_ =	sdelay $0x3  }
0x1f1: {  	v23 =	vpop (erf)  }
0x1f2: {  	[tilespmem:v22+s20+$0x0] =	vst.idx.add.f32.msk $0xffff, v23  }
0x1f3: {  	v22 =	vld [tilespmem:s31+$0x9FE0];
	_ =	sdelay $0x4  }
0x1f4: {  	v22 =	vsub.f32 v22, v21  }
0x1f5: {  	v23 =	vld [tilespmem:s31+$0x5060]  }
0x1f6: {  	v22 =	vmul.f32 $1.442695020e+00, v22;
	_ =	sdelay $0x1  }
0x1f7: {  	(erf) = vpow2.f32 v22;
	_ =	sdelay $0x1  }
0x1f8: {  	v22 =	vshll.u32 v23, $0x3  }
0x1f9: {  	v23 =	vand.u32 $0x7F, v23;
	v22 =	vand.u32 $0xFFFFFC00, v22  }
0x1fa: {  	v22 =	vor.u32 v23, v22  }
0x1fb: {  	v22 =	vadd.s32 v20, v22;
	_ =	sdelay $0x3  }
0x1fc: {  	v23 =	vpop (erf)  }
0x1fd: {  	[tilespmem:v22+s20+$0x0] =	vst.idx.add.f32.msk $0xffff, v23  }
0x1fe: {  	v22 =	vld [tilespmem:s31+$0x9FF0];
	_ =	sdelay $0x4  }
0x1ff: {  	v22 =	vsub.f32 v22, v21;
	_ =	sdelay $0x1  }
0x200: {  	v22 =	vmul.f32 $1.442695020e+00, v22;
	_ =	sdelay $0x1  }
0x201: {  	(erf) = vpow2.f32 v22;
	v22 =	vld [tilespmem:s31+$0x5070];
	_ =	sdelay $0x4  }
0x202: {  	v23 =	vshll.u32 v22, $0x3  }
0x203: {  	v22 =	vand.u32 $0x7F, v22;
	v23 =	vand.u32 $0xFFFFFC00, v23  }
0x204: {  	v22 =	vor.u32 v22, v23  }
0x205: {  	v22 =	vadd.s32 v20, v22;
	_ =	sdelay $0x2  }
0x206: {  	s25 =	simm.s32 $0x200;
	s26 =	simm.s32 $0x400;
	v23 =	vpop (erf)  }
.LBB2_10:
0x207: {  	p0 =	sne.s32 s26, $0x9A00  }
0x208: {  	s28 =	sshra.s32 s25, $0x2;
	[tilespmem:v22+s20+$0x0] =	vst.idx.add.f32.msk $0xffff, v23;
	s25 =	smov.u32 s26;
	s26 =	sadd.s32 $0x200, s26  }
0x209: {  	v22 =	vld [tilespmem:s28+$0x9F80];
	_ =	sdelay $0x4  }
0x20a: {  	v22 =	vsub.f32 v22, v21  }
0x20b: {  	v23 =	vld [tilespmem:s28+$0x5000]  }
0x20c: {  	v22 =	vmul.f32 $1.442695020e+00, v22;
	_ =	sdelay $0x1  }
0x20d: {  	(erf) = vpow2.f32 v22;
	_ =	sdelay $0x1  }
0x20e: {  	v22 =	vshll.u32 v23, $0x3  }
0x20f: {  	v23 =	vand.u32 $0x7F, v23;
	v22 =	vand.u32 $0xFFFFFC00, v22  }
0x210: {  	v22 =	vor.u32 v23, v22  }
0x211: {  	v22 =	vadd.s32 v20, v22;
	_ =	sdelay $0x3  }
0x212: {  	v23 =	vpop (erf)  }
0x213: {  	[tilespmem:v22+s20+$0x0] =	vst.idx.add.f32.msk $0xffff, v23  }
0x214: {  	v22 =	vld [tilespmem:s28+$0x9F90];
	_ =	sdelay $0x4  }
0x215: {  	v22 =	vsub.f32 v22, v21  }
0x216: {  	v23 =	vld [tilespmem:s28+$0x5010]  }
0x217: {  	v22 =	vmul.f32 $1.442695020e+00, v22;
	_ =	sdelay $0x1  }
0x218: {  	(erf) = vpow2.f32 v22;
	_ =	sdelay $0x1  }
0x219: {  	v22 =	vshll.u32 v23, $0x3  }
0x21a: {  	v23 =	vand.u32 $0x7F, v23;
	v22 =	vand.u32 $0xFFFFFC00, v22  }
0x21b: {  	v22 =	vor.u32 v23, v22  }
0x21c: {  	v22 =	vadd.s32 v20, v22;
	_ =	sdelay $0x3  }
0x21d: {  	v23 =	vpop (erf)  }
0x21e: {  	[tilespmem:v22+s20+$0x0] =	vst.idx.add.f32.msk $0xffff, v23  }
0x21f: {  	v22 =	vld [tilespmem:s28+$0x9FA0];
	_ =	sdelay $0x4  }
0x220: {  	v22 =	vsub.f32 v22, v21  }
0x221: {  	v23 =	vld [tilespmem:s28+$0x5020]  }
0x222: {  	v22 =	vmul.f32 $1.442695020e+00, v22;
	_ =	sdelay $0x1  }
0x223: {  	(erf) = vpow2.f32 v22;
	_ =	sdelay $0x1  }
0x224: {  	v22 =	vshll.u32 v23, $0x3  }
0x225: {  	v23 =	vand.u32 $0x7F, v23;
	v22 =	vand.u32 $0xFFFFFC00, v22  }
0x226: {  	v22 =	vor.u32 v23, v22  }
0x227: {  	v22 =	vadd.s32 v20, v22;
	_ =	sdelay $0x3  }
0x228: {  	v23 =	vpop (erf)  }
0x229: {  	[tilespmem:v22+s20+$0x0] =	vst.idx.add.f32.msk $0xffff, v23  }
0x22a: {  	v22 =	vld [tilespmem:s28+$0x9FB0];
	_ =	sdelay $0x4  }
0x22b: {  	v22 =	vsub.f32 v22, v21  }
0x22c: {  	v23 =	vld [tilespmem:s28+$0x5030]  }
0x22d: {  	v22 =	vmul.f32 $1.442695020e+00, v22;
	_ =	sdelay $0x1  }
0x22e: {  	(erf) = vpow2.f32 v22;
	_ =	sdelay $0x1  }
0x22f: {  	v22 =	vshll.u32 v23, $0x3  }
0x230: {  	v23 =	vand.u32 $0x7F, v23;
	v22 =	vand.u32 $0xFFFFFC00, v22  }
0x231: {  	v22 =	vor.u32 v23, v22  }
0x232: {  	v22 =	vadd.s32 v20, v22;
	_ =	sdelay $0x3  }
0x233: {  	v23 =	vpop (erf)  }
0x234: {  	[tilespmem:v22+s20+$0x0] =	vst.idx.add.f32.msk $0xffff, v23  }
0x235: {  	v22 =	vld [tilespmem:s28+$0x9FC0]  }
0x236: {  	v23 =	vld [tilespmem:s28+$0x5040];
	_ =	sdelay $0x3  }
0x237: {  	v22 =	vsub.f32 v22, v21  }
0x238: {  	v24 =	vshll.u32 v23, $0x3  }
0x239: {  	v23 =	vand.u32 $0x7F, v23;
	v22 =	vmul.f32 $1.442695020e+00, v22;
	v24 =	vand.u32 $0xFFFFFC00, v24  }
0x23a: {  	v23 =	vor.u32 v23, v24  }
0x23b: {  	(erf) = vpow2.f32 v22;
	_ =	sdelay $0x4  }
0x23c: {  	v22 =	vadd.s32 v20, v23;
	_ =	sdelay $0x3  }
0x23d: {  	v23 =	vpop (erf)  }
0x23e: {  	[tilespmem:v22+s20+$0x0] =	vst.idx.add.f32.msk $0xffff, v23  }
0x23f: {  	v22 =	vld [tilespmem:s28+$0x9FD0]  }
0x240: {  	v23 =	vld [tilespmem:s28+$0x5050];
	_ =	sdelay $0x3  }
0x241: {  	v22 =	vsub.f32 v22, v21  }
0x242: {  	v24 =	vshll.u32 v23, $0x3  }
0x243: {  	v23 =	vand.u32 $0x7F, v23;
	v22 =	vmul.f32 $1.442695020e+00, v22;
	v24 =	vand.u32 $0xFFFFFC00, v24  }
0x244: {  	v23 =	vor.u32 v23, v24  }
0x245: {  	(erf) = vpow2.f32 v22;
	_ =	sdelay $0x4  }
0x246: {  	v22 =	vadd.s32 v20, v23;
	_ =	sdelay $0x3  }
0x247: {  	v23 =	vpop (erf)  }
0x248: {  	[tilespmem:v22+s20+$0x0] =	vst.idx.add.f32.msk $0xffff, v23  }
0x249: {  	v22 =	vld [tilespmem:s28+$0x9FE0]  }
0x24a: {  	v23 =	vld [tilespmem:s28+$0x5060];
	_ =	sdelay $0x3  }
0x24b: {  	v22 =	vsub.f32 v22, v21  }
0x24c: {  	v24 =	vshll.u32 v23, $0x3  }
0x24d: {  	v23 =	vand.u32 $0x7F, v23;
	v22 =	vmul.f32 $1.442695020e+00, v22;
	v24 =	vand.u32 $0xFFFFFC00, v24  }
0x24e: {  	v23 =	vor.u32 v23, v24  }
0x24f: {  	(erf) = vpow2.f32 v22;
	_ =	sdelay $0x4  }
0x250: {  	v22 =	vadd.s32 v20, v23;
	_ =	sdelay $0x3  }
0x251: {  	v23 =	vpop (erf)  }
0x252: {  	[tilespmem:v22+s20+$0x0] =	vst.idx.add.f32.msk $0xffff, v23  }
0x253: {  	v22 =	vld [tilespmem:s28+$0x9FF0]  }
0x254: {  	v23 =	vld [tilespmem:s28+$0x5070];
	_ =	sdelay $0x3  }
0x255: {  	v22 =	vsub.f32 v22, v21  }
0x256: {  	v24 =	vshll.u32 v23, $0x3  }
0x257: {  	v23 =	vand.u32 $0x7F, v23;
	v22 =	vmul.f32 $1.442695020e+00, v22;
	v24 =	vand.u32 $0xFFFFFC00, v24  }
0x258: {  	v23 =	vor.u32 v23, v24  }
0x259: {  	(erf) = vpow2.f32 v22;
	_ =	sdelay $0x4  }
.Ltmp4:
0x25a: {  	v22 =	vadd.s32 v20, v23;
	(pc) =	sbr.rel @p0 .LBB2_10-.Ltmp4, $2  }
0x25b: {  	_ =	sdelay $0x2  }
0x25c: {  	v23 =	vpop (erf)  }
0x25d: {  	_ =	sdelay $0x3  }
0x25e: {  	s0 =	sshra.s32 s25, $0x2;
	[tilespmem:v22+s20+$0x0] =	vst.idx.add.f32.msk $0xffff, v23  }
0x25f: {  	v22 =	vld [tilespmem:s0+$0x9F80];
	_ =	sdelay $0x4  }
0x260: {  	v22 =	vsub.f32 v22, v21  }
0x261: {  	v23 =	vld [tilespmem:s0+$0x5000]  }
0x262: {  	v22 =	vmul.f32 $1.442695020e+00, v22;
	_ =	sdelay $0x1  }
0x263: {  	(erf) = vpow2.f32 v22;
	_ =	sdelay $0x1  }
0x264: {  	v22 =	vshll.u32 v23, $0x3  }
0x265: {  	v23 =	vand.u32 $0x7F, v23;
	v22 =	vand.u32 $0xFFFFFC00, v22  }
0x266: {  	v22 =	vor.u32 v23, v22  }
0x267: {  	v22 =	vadd.s32 v20, v22;
	_ =	sdelay $0x3  }
0x268: {  	v23 =	vpop (erf)  }
0x269: {  	[tilespmem:v22+s20+$0x0] =	vst.idx.add.f32.msk $0xffff, v23  }
0x26a: {  	v22 =	vld [tilespmem:s0+$0x9F90];
	_ =	sdelay $0x4  }
0x26b: {  	v22 =	vsub.f32 v22, v21  }
0x26c: {  	v23 =	vld [tilespmem:s0+$0x5010]  }
0x26d: {  	v22 =	vmul.f32 $1.442695020e+00, v22;
	_ =	sdelay $0x1  }
0x26e: {  	(erf) = vpow2.f32 v22;
	_ =	sdelay $0x1  }
0x26f: {  	v22 =	vshll.u32 v23, $0x3  }
0x270: {  	v23 =	vand.u32 $0x7F, v23;
	v22 =	vand.u32 $0xFFFFFC00, v22  }
0x271: {  	v22 =	vor.u32 v23, v22  }
0x272: {  	v22 =	vadd.s32 v20, v22;
	_ =	sdelay $0x3  }
0x273: {  	v23 =	vpop (erf)  }
0x274: {  	[tilespmem:v22+s20+$0x0] =	vst.idx.add.f32.msk $0xffff, v23  }
0x275: {  	v22 =	vld [tilespmem:s0+$0x9FA0];
	_ =	sdelay $0x4  }
0x276: {  	v22 =	vsub.f32 v22, v21  }
0x277: {  	v23 =	vld [tilespmem:s0+$0x5020]  }
0x278: {  	v22 =	vmul.f32 $1.442695020e+00, v22;
	_ =	sdelay $0x1  }
0x279: {  	(erf) = vpow2.f32 v22;
	_ =	sdelay $0x1  }
0x27a: {  	v22 =	vshll.u32 v23, $0x3  }
0x27b: {  	v23 =	vand.u32 $0x7F, v23;
	v22 =	vand.u32 $0xFFFFFC00, v22  }
0x27c: {  	v22 =	vor.u32 v23, v22  }
0x27d: {  	v22 =	vadd.s32 v20, v22;
	_ =	sdelay $0x3  }
0x27e: {  	v23 =	vpop (erf)  }
0x27f: {  	[tilespmem:v22+s20+$0x0] =	vst.idx.add.f32.msk $0xffff, v23  }
0x280: {  	v22 =	vld [tilespmem:s0+$0x9FB0];
	_ =	sdelay $0x4  }
0x281: {  	v22 =	vsub.f32 v22, v21  }
0x282: {  	v23 =	vld [tilespmem:s0+$0x5030]  }
0x283: {  	v22 =	vmul.f32 $1.442695020e+00, v22;
	_ =	sdelay $0x1  }
0x284: {  	(erf) = vpow2.f32 v22;
	_ =	sdelay $0x1  }
0x285: {  	v22 =	vshll.u32 v23, $0x3  }
0x286: {  	v23 =	vand.u32 $0x7F, v23;
	v22 =	vand.u32 $0xFFFFFC00, v22  }
0x287: {  	v22 =	vor.u32 v23, v22  }
0x288: {  	v22 =	vadd.s32 v20, v22;
	_ =	sdelay $0x3  }
0x289: {  	v23 =	vpop (erf)  }
0x28a: {  	[tilespmem:v22+s20+$0x0] =	vst.idx.add.f32.msk $0xffff, v23  }
0x28b: {  	v22 =	vld [tilespmem:s0+$0x9FC0];
	_ =	sdelay $0x4  }
0x28c: {  	v22 =	vsub.f32 v22, v21  }
0x28d: {  	v23 =	vld [tilespmem:s0+$0x5040]  }
0x28e: {  	v22 =	vmul.f32 $1.442695020e+00, v22;
	_ =	sdelay $0x1  }
0x28f: {  	(erf) = vpow2.f32 v22;
	_ =	sdelay $0x1  }
0x290: {  	v22 =	vshll.u32 v23, $0x3  }
0x291: {  	v23 =	vand.u32 $0x7F, v23;
	v22 =	vand.u32 $0xFFFFFC00, v22  }
0x292: {  	v22 =	vor.u32 v23, v22  }
0x293: {  	v22 =	vadd.s32 v20, v22;
	_ =	sdelay $0x3  }
0x294: {  	v23 =	vpop (erf)  }
0x295: {  	[tilespmem:v22+s20+$0x0] =	vst.idx.add.f32.msk $0xffff, v23  }
0x296: {  	v22 =	vld [tilespmem:s0+$0x9FD0];
	_ =	sdelay $0x4  }
0x297: {  	v22 =	vsub.f32 v22, v21  }
0x298: {  	v23 =	vld [tilespmem:s0+$0x5050]  }
0x299: {  	v22 =	vmul.f32 $1.442695020e+00, v22;
	_ =	sdelay $0x1  }
0x29a: {  	(erf) = vpow2.f32 v22;
	_ =	sdelay $0x1  }
0x29b: {  	v22 =	vshll.u32 v23, $0x3  }
0x29c: {  	v23 =	vand.u32 $0x7F, v23;
	v22 =	vand.u32 $0xFFFFFC00, v22  }
0x29d: {  	v22 =	vor.u32 v23, v22  }
0x29e: {  	v22 =	vadd.s32 v20, v22;
	_ =	sdelay $0x3  }
0x29f: {  	v23 =	vpop (erf)  }
0x2a0: {  	[tilespmem:v22+s20+$0x0] =	vst.idx.add.f32.msk $0xffff, v23  }
0x2a1: {  	v22 =	vld [tilespmem:s0+$0x9FE0];
	_ =	sdelay $0x4  }
0x2a2: {  	v22 =	vsub.f32 v22, v21  }
0x2a3: {  	v23 =	vld [tilespmem:s0+$0x5060]  }
0x2a4: {  	v22 =	vmul.f32 $1.442695020e+00, v22;
	_ =	sdelay $0x1  }
0x2a5: {  	(erf) = vpow2.f32 v22;
	_ =	sdelay $0x1  }
0x2a6: {  	v22 =	vshll.u32 v23, $0x3  }
0x2a7: {  	v23 =	vand.u32 $0x7F, v23;
	v22 =	vand.u32 $0xFFFFFC00, v22  }
0x2a8: {  	v22 =	vor.u32 v23, v22  }
0x2a9: {  	v22 =	vadd.s32 v20, v22;
	_ =	sdelay $0x3  }
0x2aa: {  	v23 =	vpop (erf)  }
0x2ab: {  	[tilespmem:v22+s20+$0x0] =	vst.idx.add.f32.msk $0xffff, v23  }
0x2ac: {  	v22 =	vld [tilespmem:s0+$0x9FF0];
	_ =	sdelay $0x4  }
0x2ad: {  	v22 =	vsub.f32 v22, v21  }
0x2ae: {  	v23 =	vld [tilespmem:s0+$0x5070]  }
0x2af: {  	v22 =	vmul.f32 $1.442695020e+00, v22;
	_ =	sdelay $0x1  }
0x2b0: {  	(erf) = vpow2.f32 v22;
	_ =	sdelay $0x1  }
0x2b1: {  	v22 =	vshll.u32 v23, $0x3  }
0x2b2: {  	v23 =	vand.u32 $0x7F, v23;
	v22 =	vand.u32 $0xFFFFFC00, v22  }
0x2b3: {  	v22 =	vor.u32 v23, v22  }
0x2b4: {  	v22 =	vadd.s32 v20, v22;
	_ =	sdelay $0x3  }
0x2b5: {  	v23 =	vpop (erf)  }
0x2b6: {  	[tilespmem:v22+s20+$0x0] =	vst.idx.add.f32.msk $0xffff, v23  }
0x2b7: {  	v22 =	vld [tilespmem:$0xC680];
	_ =	sdelay $0x4  }
0x2b8: {  	v22 =	vsub.f32 v22, v21  }
0x2b9: {  	v23 =	vld [tilespmem:$0x7700]  }
0x2ba: {  	v22 =	vmul.f32 $1.442695020e+00, v22;
	_ =	sdelay $0x1  }
0x2bb: {  	(erf) = vpow2.f32 v22;
	_ =	sdelay $0x1  }
0x2bc: {  	v22 =	vshll.u32 v23, $0x3  }
0x2bd: {  	v23 =	vand.u32 $0x7F, v23;
	v22 =	vand.u32 $0xFFFFFC00, v22  }
0x2be: {  	v22 =	vor.u32 v23, v22  }
0x2bf: {  	v22 =	vadd.s32 v20, v22;
	_ =	sdelay $0x2  }
0x2c0: {  	s30 =	simm.s32 $0x0  }
0x2c1: {  	s1 =	sand.u32 $0x70, s30;
	s0 =	sand.u32 $0xC00, s30;
	v23 =	vpop (erf)  }
0x2c2: {  	s0 =	sor.u32 s1, s0;
	[tilespmem:v22+s20+$0x0] =	vst.idx.add.f32.msk $0xffff, v23  }
0x2c3: {  	v22 =	vld [tilespmem:s0+$0xC800]  }
0x2c4: {  	v23 =	vld [tilespmem:s0+$0xC780];
	_ =	sdelay $0x1  }
0x2c5: {  	v24 =	vld [tilespmem:s0+$0xC880];
	_ =	sdelay $0x1  }
0x2c6: {  	v25 =	vld [tilespmem:s0+$0xC900]  }
0x2c7: {  	v22 =	vadd.f32 v22, v23  }
0x2c8: {  	v23 =	vld [tilespmem:s0+$0xC980]  }
0x2c9: {  	v22 =	vadd.f32 v24, v22  }
0x2ca: {  	v56 =	vld [tilespmem:s0+$0xCA00]  }
0x2cb: {  	v22 =	vadd.f32 v25, v22  }
0x2cc: {  	v57 =	vld [tilespmem:s0+$0xCA80]  }
0x2cd: {  	v22 =	vadd.f32 v23, v22  }
0x2ce: {  	v23 =	vld [tilespmem:s0+$0xCB00]  }
0x2cf: {  	v22 =	vadd.f32 v56, v22  }
0x2d0: {  	v58 =	vld [tilespmem:s0+$0xD780]  }
0x2d1: {  	v22 =	vadd.f32 v57, v22  }
0x2d2: {  	v59 =	vld [tilespmem:s0+$0xD800]  }
0x2d3: {  	v22 =	vadd.f32 v23, v22  }
0x2d4: {  	v23 =	vld [tilespmem:s0+$0xD880]  }
0x2d5: {  	v22 =	vadd.f32 v58, v22  }
0x2d6: {  	v60 =	vld [tilespmem:s0+$0xD900]  }
0x2d7: {  	v22 =	vadd.f32 v59, v22  }
0x2d8: {  	v61 =	vld [tilespmem:s0+$0xD980]  }
0x2d9: {  	v22 =	vadd.f32 v23, v22  }
0x2da: {  	v23 =	vld [tilespmem:s0+$0xDA00]  }
0x2db: {  	v22 =	vadd.f32 v60, v22  }
0x2dc: {  	v62 =	vld [tilespmem:s0+$0xDA80]  }
0x2dd: {  	v22 =	vadd.f32 v61, v22  }
0x2de: {  	v63 =	vld [tilespmem:s0+$0xDB00]  }
0x2df: {  	v22 =	vadd.f32 v23, v22;
	_ =	sdelay $0x1  }
0x2e0: {  	v22 =	vadd.f32 v62, v22;
	_ =	sdelay $0x1  }
0x2e1: {  	s31 =	simm.s32 $0x10;
	s12 =	simm.s32 $0x80;
	v22 =	vadd.f32 v63, v22  }
0x2e2: {  	s4 =	sand.u32 $0xC00, s12;
	s1 =	sand.u32 $0x70, s31;
	s0 =	simm.s32 $0xE780  }
0x2e3: {  	s15 =	simm.s32 $0x20;
	s1 =	sor.u32 s1, s4;
	[tilespmem:s0+$0x0] =	vst v22  }
.LBB2_12:
0x2e4: {  	p0 =	sne.s32 s15, $0x1F0;
	v22 =	vld [tilespmem:s1+$0xC800]  }
0x2e5: {  	v23 =	vld [tilespmem:s1+$0xC780];
	_ =	sdelay $0x1  }
0x2e6: {  	v24 =	vld [tilespmem:s1+$0xC880];
	_ =	sdelay $0x1  }
0x2e7: {  	v25 =	vld [tilespmem:s1+$0xC900]  }
0x2e8: {  	v22 =	vadd.f32 v22, v23  }
0x2e9: {  	v23 =	vld [tilespmem:s1+$0xC980]  }
0x2ea: {  	v22 =	vadd.f32 v24, v22  }
0x2eb: {  	v24 =	vld [tilespmem:s1+$0xCA00]  }
0x2ec: {  	v22 =	vadd.f32 v25, v22  }
0x2ed: {  	v25 =	vld [tilespmem:s1+$0xCA80]  }
0x2ee: {  	v22 =	vadd.f32 v23, v22  }
0x2ef: {  	v23 =	vld [tilespmem:s1+$0xCB00]  }
0x2f0: {  	v22 =	vadd.f32 v24, v22  }
0x2f1: {  	v24 =	vld [tilespmem:s1+$0xD780]  }
0x2f2: {  	v22 =	vadd.f32 v25, v22  }
0x2f3: {  	v25 =	vld [tilespmem:s1+$0xD800]  }
0x2f4: {  	v22 =	vadd.f32 v23, v22  }
0x2f5: {  	v23 =	vld [tilespmem:s1+$0xD880]  }
0x2f6: {  	v22 =	vadd.f32 v24, v22  }
0x2f7: {  	v24 =	vld [tilespmem:s1+$0xD900]  }
0x2f8: {  	v22 =	vadd.f32 v25, v22  }
0x2f9: {  	v25 =	vld [tilespmem:s1+$0xD980]  }
0x2fa: {  	v22 =	vadd.f32 v23, v22  }
0x2fb: {  	v23 =	vld [tilespmem:s1+$0xDA00]  }
0x2fc: {  	v22 =	vadd.f32 v24, v22  }
0x2fd: {  	v24 =	vld [tilespmem:s1+$0xDA80]  }
0x2fe: {  	v22 =	vadd.f32 v25, v22  }
0x2ff: {  	v25 =	vld [tilespmem:s1+$0xDB00]  }
0x300: {  	v22 =	vadd.f32 v23, v22;
	_ =	sdelay $0x1  }
.Ltmp5:
0x301: {  	v22 =	vadd.f32 v24, v22;
	(pc) =	sbr.rel @p0 .LBB2_12-.Ltmp5, $4  }
0x302: {  	_ = 	snop  }
0x303: {  	s12 =	sadd.s32 $0x80, s12;
	v22 =	vadd.f32 v25, v22  }
0x304: {  	s0 =	sadd.s32 $0x10, s0;
	s4 =	sand.u32 $0xC00, s12;
	s1 =	sand.u32 $0x70, s15  }
0x305: {  	s15 =	sadd.s32 $0x10, s15;
	s1 =	sor.u32 s1, s4;
	[tilespmem:s0+$0x0] =	vst v22  }
0x306: {  	v22 =	vld [tilespmem:s1+$0xC800]  }
0x307: {  	v23 =	vld [tilespmem:s1+$0xC780];
	_ =	sdelay $0x1  }
0x308: {  	v24 =	vld [tilespmem:s1+$0xC880];
	_ =	sdelay $0x1  }
0x309: {  	v25 =	vld [tilespmem:s1+$0xC900]  }
0x30a: {  	v22 =	vadd.f32 v22, v23  }
0x30b: {  	v23 =	vld [tilespmem:s1+$0xC980]  }
0x30c: {  	v22 =	vadd.f32 v24, v22  }
0x30d: {  	v56 =	vld [tilespmem:s1+$0xCA00]  }
0x30e: {  	v22 =	vadd.f32 v25, v22  }
0x30f: {  	v57 =	vld [tilespmem:s1+$0xCA80]  }
0x310: {  	v22 =	vadd.f32 v23, v22  }
0x311: {  	v23 =	vld [tilespmem:s1+$0xCB00]  }
0x312: {  	v22 =	vadd.f32 v56, v22  }
0x313: {  	v58 =	vld [tilespmem:s1+$0xD780]  }
0x314: {  	v22 =	vadd.f32 v57, v22  }
0x315: {  	v59 =	vld [tilespmem:s1+$0xD800]  }
0x316: {  	v22 =	vadd.f32 v23, v22  }
0x317: {  	v23 =	vld [tilespmem:s1+$0xD880]  }
0x318: {  	v22 =	vadd.f32 v58, v22  }
0x319: {  	v60 =	vld [tilespmem:s1+$0xD900]  }
0x31a: {  	v22 =	vadd.f32 v59, v22  }
0x31b: {  	v61 =	vld [tilespmem:s1+$0xD980]  }
0x31c: {  	v22 =	vadd.f32 v23, v22  }
0x31d: {  	v23 =	vld [tilespmem:s1+$0xDA00]  }
0x31e: {  	v22 =	vadd.f32 v60, v22  }
0x31f: {  	v62 =	vld [tilespmem:s1+$0xDA80]  }
0x320: {  	v22 =	vadd.f32 v61, v22  }
0x321: {  	v63 =	vld [tilespmem:s1+$0xDB00]  }
0x322: {  	v22 =	vadd.f32 v23, v22;
	_ =	sdelay $0x1  }
0x323: {  	v22 =	vadd.f32 v62, v22;
	_ =	sdelay $0x1  }
0x324: {  	v22 =	vadd.f32 v63, v22  }
0x325: {  	s0 =	sadd.s32 $0x10, s0  }
0x326: {  	[tilespmem:s0+$0x0] =	vst v22  }
0x327: {  	s30 =	simm.s32 $0x400;
	s31 =	simm.s32 $0xE780;
	[tilespmem:$0xE980] =	vst v21  }
0x328: {  	[hbm4b:s8+s14] =	stream.strided.scatter [tilespmem:s31], [sflag:$0x2], $0x200, s30, s14, $0x38;
	[tilespmem:$0xEA00] =	vst v63  }
0x329: {  	s24 =	sadd.s32 $0x1, s24;
	_ =	swait.ge [sflag:s23], $0x200  }
0x32a: {  	p0 =	sne.s32 s24, s10;
	[sflag:s23] =	ssyncset.done $0x0  }
.Ltmp6:
0x32b: {  	[sflag:s23] =	ssyncadd.s32 $0xFFFFFE00;
	(pc) =	sbr.rel @p0 .LBB2_1-.Ltmp6, $4  }
0x32c: {  	[hbm4b:s9+s2] =	stream.linear.scatter [tilespmem:s19], [sflag:$0x2], $0x80, $0x38;
	[tilespmem:$0xEA00] =	vst v63  }
0x32d: {  	_ =	swait.ge [sflag:s23], $0x80  }
0x32e: {  	[sflag:s23] =	ssyncset.done $0x0  }
0x32f: {  	[sflag:s23] =	ssyncadd.s32 $0xFFFFFF80  }
0x330: {  	_ =	sfence.sel $0x180000  }
0x331: {  	[bflag:$0x0] =	sbarrier.arrive $0xFFFF  }
0x332: {  	_ =	strace $0x90000047  }
0x333: {  	s0 =	stileid.u32;
	[bflag:$0x2] =	sbarrier.arrive $0xFFFF  }
0x334: {  	p0 =	sne.s32 s0, $0x0;
	s0 =	rddreg [dreg:$0x4]  }
0x335: {  	s0 =	sadd.s32 @!p0 $0x100000, s0  }
0x336: {  	[sflag:s0] =	ssyncadd.tile.s32 @!p0 $0x1;
	_ =	shalt  }
.Lfunc_end2:
_tile_overlayer_lowered:
.L_overlay_start_2:
0x337: {  	(tag) =	ssettag $0x2  }
0x338: {  	s0 =	rddreg [dreg:$0x0];
	s2 =	stileid.u32  }
0x339: {  	s1 =	rddreg [dreg:$0x1];
	p0 =	sne.s32 s2, $0x0  }
0x33a: {  	s3 =	rddreg [dreg:$0x2];
	[bflag:$0x3] =	sbarrier.arrive $0xFFFF;
	s2 =	simm.s32 @!p0 $0x1C02  }
0x33b: {  	[timem:s3], [sflag:s2] =	dma.local @!p0 [hbm:s0], s1  }
0x33c: {  	s0 =	simm.s32 @!p0 $0x2  }
0x33d: {  	_ =	swait.ge @!p0 [sflag:s0], s1  }
0x33e: {  	s1 =	ssub.s32 @!p0 $0x0, s1;
	[sflag:s0] =	ssyncset.done @!p0 $0x0  }
0x33f: {  	[sflag:s0] =	ssyncadd.s32 @!p0 s1  }
0x340: {  	[bflag:$0x3] =	sbarrier.arrive $0xFFFF  }
0x341: {  	_ =	shalt  }

</sc_bundles>
